<compile_context>
chip_gen: v7x
topology: tpu7x:2x2x1
jax: 0.10.2.dev20260603
libtpu: 0.0.44.dev20260713+nightly
codegen_flags: <defaults>
</compile_context>

<pallas_src>
import functools

import jax
import jax.numpy as jnp
from jax import lax
from jax.experimental import pallas as pl
from jax.experimental.pallas import tpu as pltpu
from jax.experimental.pallas import tpu_sc as plsc

_CH = 32


def _make_sc_copy(rows, d, dtype):
    try:
        info = plsc.get_sparse_core_info()
        nc, ns = info.num_cores, info.num_subcores
    except Exception:
        nc, ns = 2, 16
    nw = nc * ns
    per_w = rows // nw
    iters = per_w // _CH
    mesh = plsc.VectorSubcoreMesh(core_axis_name="c", subcore_axis_name="s")

    @functools.partial(
        pl.kernel, mesh=mesh,
        out_type=jax.ShapeDtypeStruct((rows, d), dtype),
        scratch_types=[
            pltpu.VMEM((2, _CH, d), dtype),
            pltpu.SemaphoreType.DMA((2,)),
            pltpu.SemaphoreType.DMA((2,)),
        ],
    )
    def sc_copy(x_hbm, out_hbm, buf, rsem, wsem):
        wid = lax.axis_index("s") * nc + lax.axis_index("c")
        base = wid * per_w

        def read(i, s):
            return pltpu.async_copy(
                x_hbm.at[pl.ds(base + i * _CH, _CH)], buf.at[s], rsem.at[s])

        def write(i, s):
            return pltpu.async_copy(
                buf.at[s], out_hbm.at[pl.ds(base + i * _CH, _CH)], wsem.at[s])

        h_w = [None, None]
        h_r = [None, None]
        h_r[0] = read(0, 0)
        for i in range(iters):
            s = i % 2
            if i + 1 < iters:
                s2 = (i + 1) % 2
                if h_w[s2] is not None:
                    h_w[s2].wait()
                h_r[s2] = read(i + 1, s2)
            h_r[s].wait()
            h_w[s] = write(i, s)
        for s in range(2):
            if h_w[s] is not None:
                h_w[s].wait()

    return sc_copy


def kernel(x, relative_position_bias_table):
    del relative_position_bias_table
    b, s, d = x.shape
    x2 = x.reshape(b * s, d)
    out = _make_sc_copy(b * s, d, x.dtype)(x2)
    return out.reshape(b, s, d)

# --- scband reference (transcript-rebuilt; emitter-appended) ---
"""Pipeline reference for scband-relative-positional-encoding-65077344468993 (READ-ONLY COPY).

The authoritative reference and input builder live on the scoring server;
editing this copy changes nothing except your own understanding.
"""

import jax, jax.numpy as jnp
import numpy as np

D_MODEL = 1024
MAX_LEN = 4096
NUM_HEADS = 16


def setup_inputs(seed: int = 0) -> dict:
    key = jax.random.key(seed)
    k_x, k_tbl = jax.random.split(key)
    x = jax.random.normal(k_x, (4, 4096, D_MODEL), dtype=jnp.float32)
    # learnable relative position bias table (unused by forward, but part of the module)
    tbl = (jax.random.truncated_normal(k_tbl, -2.0, 2.0, (2 * MAX_LEN - 1, NUM_HEADS), dtype=jnp.float32) * 0.005)
    return {"x": x, "relative_position_bias_table": tbl}


def reference(x, relative_position_bias_table):
    # Faithful translation of RelativePositionalEncoding.forward:
    # forward simply applies dropout to x and returns it. In eval/inference
    # mode dropout is the identity, so the reference is deterministic identity.
    # The bias table is a module parameter consumed only by
    # get_relative_position_bias (used inside attention), not by forward.
    return x

if __name__ == "__main__":
    import jax
    _d = setup_inputs()
    print(jax.jit(kernel)(*tuple(_d.values())))

</pallas_src>

<mosaic_0001>
#map = affine_map<(d0, d1) -> (0, 0)>
module attributes {stable_mosaic.version = 14 : i64} {
  func.func @sc_copy(%arg0: i32, %arg1: i32, %arg2: memref<16384x1024xf32, #tpu.memory_space<hbm>>, %arg3: memref<16384x1024xf32, #tpu.memory_space<hbm>>, %arg4: memref<2x32x1024xf32, #tpu.memory_space<vmem>>, %arg5: memref<2x!tpu.dma_semaphore, #tpu.memory_space<semaphore_mem>>, %arg6: memref<2x!tpu.dma_semaphore, #tpu.memory_space<semaphore_mem>>) attributes {dimension_semantics = [#tpu.dimension_semantics<core_parallel>, #tpu.dimension_semantics<subcore_parallel>], iteration_bounds = array<i64: 2, 16>, scalar_prefetch = 0 : i64, scratch_operands = 3 : i64, tpu.core_type = #tpu.core_type<sc_vector_subcore>, window_params = [{transform_indices = #map}, {transform_indices = #map}]} {
    %mul3A = arith.constant 2 : i32
    %mul3A_0 = arith.muli %arg1, %mul3A : i32
    %add3A = arith.addi %mul3A_0, %arg0 : i32
    %mul3A_1 = arith.constant 512 : i32
    %mul3A_2 = arith.muli %add3A, %mul3A_1 : i32
    %add3A_3 = arith.constant 0 : i32
    %add3A_4 = arith.addi %mul3A_2, %add3A_3 : i32
    %dma_start3A = arith.constant 0 : i32
    %dma_start3A_5 = arith.constant 0 : i32
    %dma_start3A_6 = arith.constant 0 : i32
    %dma_start3A_7 = arith.constant 0 : i32
    %dma_start3A_8 = tpu.memref_slice %arg4[%dma_start3A, %dma_start3A_6, %dma_start3A_7] : memref<2x32x1024xf32, #tpu.memory_space<vmem>> -> memref<1x32x1024xf32, #tpu.memory_space<vmem>>
    %dma_start3A_9 = tpu.memref_squeeze %dma_start3A_8 : memref<1x32x1024xf32, #tpu.memory_space<vmem>> -> memref<32x1024xf32, #tpu.memory_space<vmem>>
    %dma_start3A_10 = arith.constant 0 : i32
    %dma_start3A_11 = tpu.memref_slice %arg2[%add3A_4, %dma_start3A_10] : memref<16384x1024xf32, #tpu.memory_space<hbm>> -> memref<32x1024xf32, #tpu.memory_space<hbm>>
    %dma_start3A_12 = tpu.memref_slice %arg5[%dma_start3A_5] : memref<2x!tpu.dma_semaphore, #tpu.memory_space<semaphore_mem>> -> memref<1x!tpu.dma_semaphore, #tpu.memory_space<semaphore_mem>>
    %dma_start3A_13 = tpu.memref_squeeze %dma_start3A_12 : memref<1x!tpu.dma_semaphore, #tpu.memory_space<semaphore_mem>> -> memref<!tpu.dma_semaphore, #tpu.memory_space<semaphore_mem>>
    %dma_start3A_14 = arith.constant 0 : i32
    %dma_start3A_15 = arith.constant 0 : i32
    %dma_start3A_16 = tpu.memref_slice %arg4[%dma_start3A, %dma_start3A_14, %dma_start3A_15] : memref<2x32x1024xf32, #tpu.memory_space<vmem>> -> memref<1x32x1024xf32, #tpu.memory_space<vmem>>
    %dma_start3A_17 = tpu.memref_squeeze %dma_start3A_16 : memref<1x32x1024xf32, #tpu.memory_space<vmem>> -> memref<32x1024xf32, #tpu.memory_space<vmem>>
    %dma_start3A_18 = arith.constant 0 : i32
    %dma_start3A_19 = tpu.memref_slice %arg2[%add3A_4, %dma_start3A_18] : memref<16384x1024xf32, #tpu.memory_space<hbm>> -> memref<32x1024xf32, #tpu.memory_space<hbm>>
    tpu.enqueue_dma source(%dma_start3A_19 : memref<32x1024xf32, #tpu.memory_space<hbm>>) target(%dma_start3A_17 : memref<32x1024xf32, #tpu.memory_space<vmem>>) target_semaphore(%dma_start3A_13 : memref<!tpu.dma_semaphore, #tpu.memory_space<semaphore_mem>>)
    %add3A_20 = arith.constant 32 : i32
    %add3A_21 = arith.addi %mul3A_2, %add3A_20 : i32
    %dma_start3A_22 = arith.constant 1 : i32
    %dma_start3A_23 = arith.constant 1 : i32
    %dma_start3A_24 = arith.constant 0 : i32
    %dma_start3A_25 = arith.constant 0 : i32
    %dma_start3A_26 = tpu.memref_slice %arg4[%dma_start3A_22, %dma_start3A_24, %dma_start3A_25] : memref<2x32x1024xf32, #tpu.memory_space<vmem>> -> memref<1x32x1024xf32, #tpu.memory_space<vmem>>
    %dma_start3A_27 = tpu.memref_squeeze %dma_start3A_26 : memref<1x32x1024xf32, #tpu.memory_space<vmem>> -> memref<32x1024xf32, #tpu.memory_space<vmem>>
    %dma_start3A_28 = arith.constant 0 : i32
    %dma_start3A_29 = tpu.memref_slice %arg2[%add3A_21, %dma_start3A_28] : memref<16384x1024xf32, #tpu.memory_space<hbm>> -> memref<32x1024xf32, #tpu.memory_space<hbm>>
    %dma_start3A_30 = tpu.memref_slice %arg5[%dma_start3A_23] : memref<2x!tpu.dma_semaphore, #tpu.memory_space<semaphore_mem>> -> memref<1x!tpu.dma_semaphore, #tpu.memory_space<semaphore_mem>>
    %dma_start3A_31 = tpu.memref_squeeze %dma_start3A_30 : memref<1x!tpu.dma_semaphore, #tpu.memory_space<semaphore_mem>> -> memref<!tpu.dma_semaphore, #tpu.memory_space<semaphore_mem>>
    %dma_start3A_32 = arith.constant 0 : i32
    %dma_start3A_33 = arith.constant 0 : i32
    %dma_start3A_34 = tpu.memref_slice %arg4[%dma_start3A_22, %dma_start3A_32, %dma_start3A_33] : memref<2x32x1024xf32, #tpu.memory_space<vmem>> -> memref<1x32x1024xf32, #tpu.memory_space<vmem>>
    %dma_start3A_35 = tpu.memref_squeeze %dma_start3A_34 : memref<1x32x1024xf32, #tpu.memory_space<vmem>> -> memref<32x1024xf32, #tpu.memory_space<vmem>>
    %dma_start3A_36 = arith.constant 0 : i32
    %dma_start3A_37 = tpu.memref_slice %arg2[%add3A_21, %dma_start3A_36] : memref<16384x1024xf32, #tpu.memory_space<hbm>> -> memref<32x1024xf32, #tpu.memory_space<hbm>>
    tpu.enqueue_dma source(%dma_start3A_37 : memref<32x1024xf32, #tpu.memory_space<hbm>>) target(%dma_start3A_35 : memref<32x1024xf32, #tpu.memory_space<vmem>>) target_semaphore(%dma_start3A_31 : memref<!tpu.dma_semaphore, #tpu.memory_space<semaphore_mem>>)
    %dma_wait3A = arith.constant 0 : i32
    %dma_wait3A_38 = arith.constant 0 : i32
    %dma_wait3A_39 = arith.constant 0 : i32
    %dma_wait3A_40 = arith.constant 0 : i32
    %dma_wait3A_41 = tpu.memref_slice %arg4[%dma_wait3A, %dma_wait3A_39, %dma_wait3A_40] : memref<2x32x1024xf32, #tpu.memory_space<vmem>> -> memref<1x32x1024xf32, #tpu.memory_space<vmem>>
    %dma_wait3A_42 = tpu.memref_squeeze %dma_wait3A_41 : memref<1x32x1024xf32, #tpu.memory_space<vmem>> -> memref<32x1024xf32, #tpu.memory_space<vmem>>
    %dma_wait3A_43 = arith.constant 0 : i32
    %dma_wait3A_44 = tpu.memref_slice %arg2[%add3A_4, %dma_wait3A_43] : memref<16384x1024xf32, #tpu.memory_space<hbm>> -> memref<32x1024xf32, #tpu.memory_space<hbm>>
    %dma_wait3A_45 = tpu.memref_slice %arg5[%dma_wait3A_38] : memref<2x!tpu.dma_semaphore, #tpu.memory_space<semaphore_mem>> -> memref<1x!tpu.dma_semaphore, #tpu.memory_space<semaphore_mem>>
    %dma_wait3A_46 = tpu.memref_squeeze %dma_wait3A_45 : memref<1x!tpu.dma_semaphore, #tpu.memory_space<semaphore_mem>> -> memref<!tpu.dma_semaphore, #tpu.memory_space<semaphore_mem>>
    %dma_wait3A_47 = arith.constant 0 : i32
    %dma_wait3A_48 = arith.constant 0 : i32
    %dma_wait3A_49 = tpu.memref_slice %arg4[%dma_wait3A, %dma_wait3A_47, %dma_wait3A_48] : memref<2x32x1024xf32, #tpu.memory_space<vmem>> -> memref<1x32x1024xf32, #tpu.memory_space<vmem>>
    %dma_wait3A_50 = tpu.memref_squeeze %dma_wait3A_49 : memref<1x32x1024xf32, #tpu.memory_space<vmem>> -> memref<32x1024xf32, #tpu.memory_space<vmem>>
    %dma_wait3A_51 = arith.constant 0 : i32
    %dma_wait3A_52 = tpu.memref_slice %arg2[%add3A_4, %dma_wait3A_51] : memref<16384x1024xf32, #tpu.memory_space<hbm>> -> memref<32x1024xf32, #tpu.memory_space<hbm>>
    tpu.wait_dma2 semaphore(%dma_wait3A_46 : memref<!tpu.dma_semaphore, #tpu.memory_space<semaphore_mem>>) src(%dma_wait3A_52 : memref<32x1024xf32, #tpu.memory_space<hbm>>) dst(%dma_wait3A_50 : memref<32x1024xf32, #tpu.memory_space<vmem>>)
    %add3A_53 = arith.constant 0 : i32
    %add3A_54 = arith.addi %mul3A_2, %add3A_53 : i32
    %dma_start3A_55 = arith.constant 0 : i32
    %dma_start3A_56 = arith.constant 0 : i32
    %dma_start3A_57 = arith.constant 0 : i32
    %dma_start3A_58 = arith.constant 0 : i32
    %dma_start3A_59 = tpu.memref_slice %arg4[%dma_start3A_55, %dma_start3A_57, %dma_start3A_58] : memref<2x32x1024xf32, #tpu.memory_space<vmem>> -> memref<1x32x1024xf32, #tpu.memory_space<vmem>>
    %dma_start3A_60 = tpu.memref_squeeze %dma_start3A_59 : memref<1x32x1024xf32, #tpu.memory_space<vmem>> -> memref<32x1024xf32, #tpu.memory_space<vmem>>
    %dma_start3A_61 = arith.constant 0 : i32
    %dma_start3A_62 = tpu.memref_slice %arg3[%add3A_54, %dma_start3A_61] : memref<16384x1024xf32, #tpu.memory_space<hbm>> -> memref<32x1024xf32, #tpu.memory_space<hbm>>
    %dma_start3A_63 = tpu.memref_slice %arg6[%dma_start3A_56] : memref<2x!tpu.dma_semaphore, #tpu.memory_space<semaphore_mem>> -> memref<1x!tpu.dma_semaphore, #tpu.memory_space<semaphore_mem>>
    %dma_start3A_64 = tpu.memref_squeeze %dma_start3A_63 : memref<1x!tpu.dma_semaphore, #tpu.memory_space<semaphore_mem>> -> memref<!tpu.dma_semaphore, #tpu.memory_space<semaphore_mem>>
    %dma_start3A_65 = arith.constant 0 : i32
    %dma_start3A_66 = tpu.memref_slice %arg3[%add3A_54, %dma_start3A_65] : memref<16384x1024xf32, #tpu.memory_space<hbm>> -> memref<32x1024xf32, #tpu.memory_space<hbm>>
    %dma_start3A_67 = arith.constant 0 : i32
    %dma_start3A_68 = arith.constant 0 : i32
    %dma_start3A_69 = tpu.memref_slice %arg4[%dma_start3A_55, %dma_start3A_67, %dma_start3A_68] : memref<2x32x1024xf32, #tpu.memory_space<vmem>> -> memref<1x32x1024xf32, #tpu.memory_space<vmem>>
    %dma_start3A_70 = tpu.memref_squeeze %dma_start3A_69 : memref<1x32x1024xf32, #tpu.memory_space<vmem>> -> memref<32x1024xf32, #tpu.memory_space<vmem>>
    tpu.enqueue_dma source(%dma_start3A_70 : memref<32x1024xf32, #tpu.memory_space<vmem>>) target(%dma_start3A_66 : memref<32x1024xf32, #tpu.memory_space<hbm>>) target_semaphore(%dma_start3A_64 : memref<!tpu.dma_semaphore, #tpu.memory_space<semaphore_mem>>)
    %dma_wait3A_71 = arith.constant 0 : i32
    %dma_wait3A_72 = arith.constant 0 : i32
    %dma_wait3A_73 = arith.constant 0 : i32
    %dma_wait3A_74 = arith.constant 0 : i32
    %dma_wait3A_75 = tpu.memref_slice %arg4[%dma_wait3A_71, %dma_wait3A_73, %dma_wait3A_74] : memref<2x32x1024xf32, #tpu.memory_space<vmem>> -> memref<1x32x1024xf32, #tpu.memory_space<vmem>>
    %dma_wait3A_76 = tpu.memref_squeeze %dma_wait3A_75 : memref<1x32x1024xf32, #tpu.memory_space<vmem>> -> memref<32x1024xf32, #tpu.memory_space<vmem>>
    %dma_wait3A_77 = arith.constant 0 : i32
    %dma_wait3A_78 = tpu.memref_slice %arg3[%add3A_54, %dma_wait3A_77] : memref<16384x1024xf32, #tpu.memory_space<hbm>> -> memref<32x1024xf32, #tpu.memory_space<hbm>>
    %dma_wait3A_79 = tpu.memref_slice %arg6[%dma_wait3A_72] : memref<2x!tpu.dma_semaphore, #tpu.memory_space<semaphore_mem>> -> memref<1x!tpu.dma_semaphore, #tpu.memory_space<semaphore_mem>>
    %dma_wait3A_80 = tpu.memref_squeeze %dma_wait3A_79 : memref<1x!tpu.dma_semaphore, #tpu.memory_space<semaphore_mem>> -> memref<!tpu.dma_semaphore, #tpu.memory_space<semaphore_mem>>
    %dma_wait3A_81 = arith.constant 0 : i32
    %dma_wait3A_82 = tpu.memref_slice %arg3[%add3A_54, %dma_wait3A_81] : memref<16384x1024xf32, #tpu.memory_space<hbm>> -> memref<32x1024xf32, #tpu.memory_space<hbm>>
    %dma_wait3A_83 = arith.constant 0 : i32
    %dma_wait3A_84 = arith.constant 0 : i32
    %dma_wait3A_85 = tpu.memref_slice %arg4[%dma_wait3A_71, %dma_wait3A_83, %dma_wait3A_84] : memref<2x32x1024xf32, #tpu.memory_space<vmem>> -> memref<1x32x1024xf32, #tpu.memory_space<vmem>>
    %dma_wait3A_86 = tpu.memref_squeeze %dma_wait3A_85 : memref<1x32x1024xf32, #tpu.memory_space<vmem>> -> memref<32x1024xf32, #tpu.memory_space<vmem>>
    tpu.wait_dma2 semaphore(%dma_wait3A_80 : memref<!tpu.dma_semaphore, #tpu.memory_space<semaphore_mem>>) src(%dma_wait3A_86 : memref<32x1024xf32, #tpu.memory_space<vmem>>) dst(%dma_wait3A_82 : memref<32x1024xf32, #tpu.memory_space<hbm>>)
    %add3A_87 = arith.constant 64 : i32
    %add3A_88 = arith.addi %mul3A_2, %add3A_87 : i32
    %dma_start3A_89 = arith.constant 0 : i32
    %dma_start3A_90 = arith.constant 0 : i32
    %dma_start3A_91 = arith.constant 0 : i32
    %dma_start3A_92 = arith.constant 0 : i32
    %dma_start3A_93 = tpu.memref_slice %arg4[%dma_start3A_89, %dma_start3A_91, %dma_start3A_92] : memref<2x32x1024xf32, #tpu.memory_space<vmem>> -> memref<1x32x1024xf32, #tpu.memory_space<vmem>>
    %dma_start3A_94 = tpu.memref_squeeze %dma_start3A_93 : memref<1x32x1024xf32, #tpu.memory_space<vmem>> -> memref<32x1024xf32, #tpu.memory_space<vmem>>
    %dma_start3A_95 = arith.constant 0 : i32
    %dma_start3A_96 = tpu.memref_slice %arg2[%add3A_88, %dma_start3A_95] : memref<16384x1024xf32, #tpu.memory_space<hbm>> -> memref<32x1024xf32, #tpu.memory_space<hbm>>
    %dma_start3A_97 = tpu.memref_slice %arg5[%dma_start3A_90] : memref<2x!tpu.dma_semaphore, #tpu.memory_space<semaphore_mem>> -> memref<1x!tpu.dma_semaphore, #tpu.memory_space<semaphore_mem>>
    %dma_start3A_98 = tpu.memref_squeeze %dma_start3A_97 : memref<1x!tpu.dma_semaphore, #tpu.memory_space<semaphore_mem>> -> memref<!tpu.dma_semaphore, #tpu.memory_space<semaphore_mem>>
    %dma_start3A_99 = arith.constant 0 : i32
    %dma_start3A_100 = arith.constant 0 : i32
    %dma_start3A_101 = tpu.memref_slice %arg4[%dma_start3A_89, %dma_start3A_99, %dma_start3A_100] : memref<2x32x1024xf32, #tpu.memory_space<vmem>> -> memref<1x32x1024xf32, #tpu.memory_space<vmem>>
    %dma_start3A_102 = tpu.memref_squeeze %dma_start3A_101 : memref<1x32x1024xf32, #tpu.memory_space<vmem>> -> memref<32x1024xf32, #tpu.memory_space<vmem>>
    %dma_start3A_103 = arith.constant 0 : i32
    %dma_start3A_104 = tpu.memref_slice %arg2[%add3A_88, %dma_start3A_103] : memref<16384x1024xf32, #tpu.memory_space<hbm>> -> memref<32x1024xf32, #tpu.memory_space<hbm>>
    tpu.enqueue_dma source(%dma_start3A_104 : memref<32x1024xf32, #tpu.memory_space<hbm>>) target(%dma_start3A_102 : memref<32x1024xf32, #tpu.memory_space<vmem>>) target_semaphore(%dma_start3A_98 : memref<!tpu.dma_semaphore, #tpu.memory_space<semaphore_mem>>)
    %dma_wait3A_105 = arith.constant 1 : i32
    %dma_wait3A_106 = arith.constant 1 : i32
    %dma_wait3A_107 = arith.constant 0 : i32
    %dma_wait3A_108 = arith.constant 0 : i32
    %dma_wait3A_109 = tpu.memref_slice %arg4[%dma_wait3A_105, %dma_wait3A_107, %dma_wait3A_108] : memref<2x32x1024xf32, #tpu.memory_space<vmem>> -> memref<1x32x1024xf32, #tpu.memory_space<vmem>>
    %dma_wait3A_110 = tpu.memref_squeeze %dma_wait3A_109 : memref<1x32x1024xf32, #tpu.memory_space<vmem>> -> memref<32x1024xf32, #tpu.memory_space<vmem>>
    %dma_wait3A_111 = arith.constant 0 : i32
    %dma_wait3A_112 = tpu.memref_slice %arg2[%add3A_21, %dma_wait3A_111] : memref<16384x1024xf32, #tpu.memory_space<hbm>> -> memref<32x1024xf32, #tpu.memory_space<hbm>>
    %dma_wait3A_113 = tpu.memref_slice %arg5[%dma_wait3A_106] : memref<2x!tpu.dma_semaphore, #tpu.memory_space<semaphore_mem>> -> memref<1x!tpu.dma_semaphore, #tpu.memory_space<semaphore_mem>>
    %dma_wait3A_114 = tpu.memref_squeeze %dma_wait3A_113 : memref<1x!tpu.dma_semaphore, #tpu.memory_space<semaphore_mem>> -> memref<!tpu.dma_semaphore, #tpu.memory_space<semaphore_mem>>
    %dma_wait3A_115 = arith.constant 0 : i32
    %dma_wait3A_116 = arith.constant 0 : i32
    %dma_wait3A_117 = tpu.memref_slice %arg4[%dma_wait3A_105, %dma_wait3A_115, %dma_wait3A_116] : memref<2x32x1024xf32, #tpu.memory_space<vmem>> -> memref<1x32x1024xf32, #tpu.memory_space<vmem>>
    %dma_wait3A_118 = tpu.memref_squeeze %dma_wait3A_117 : memref<1x32x1024xf32, #tpu.memory_space<vmem>> -> memref<32x1024xf32, #tpu.memory_space<vmem>>
    %dma_wait3A_119 = arith.constant 0 : i32
    %dma_wait3A_120 = tpu.memref_slice %arg2[%add3A_21, %dma_wait3A_119] : memref<16384x1024xf32, #tpu.memory_space<hbm>> -> memref<32x1024xf32, #tpu.memory_space<hbm>>
    tpu.wait_dma2 semaphore(%dma_wait3A_114 : memref<!tpu.dma_semaphore, #tpu.memory_space<semaphore_mem>>) src(%dma_wait3A_120 : memref<32x1024xf32, #tpu.memory_space<hbm>>) dst(%dma_wait3A_118 : memref<32x1024xf32, #tpu.memory_space<vmem>>)
    %add3A_121 = arith.constant 32 : i32
    %add3A_122 = arith.addi %mul3A_2, %add3A_121 : i32
    %dma_start3A_123 = arith.constant 1 : i32
    %dma_start3A_124 = arith.constant 1 : i32
    %dma_start3A_125 = arith.constant 0 : i32
    %dma_start3A_126 = arith.constant 0 : i32
    %dma_start3A_127 = tpu.memref_slice %arg4[%dma_start3A_123, %dma_start3A_125, %dma_start3A_126] : memref<2x32x1024xf32, #tpu.memory_space<vmem>> -> memref<1x32x1024xf32, #tpu.memory_space<vmem>>
    %dma_start3A_128 = tpu.memref_squeeze %dma_start3A_127 : memref<1x32x1024xf32, #tpu.memory_space<vmem>> -> memref<32x1024xf32, #tpu.memory_space<vmem>>
    %dma_start3A_129 = arith.constant 0 : i32
    %dma_start3A_130 = tpu.memref_slice %arg3[%add3A_122, %dma_start3A_129] : memref<16384x1024xf32, #tpu.memory_space<hbm>> -> memref<32x1024xf32, #tpu.memory_space<hbm>>
    %dma_start3A_131 = tpu.memref_slice %arg6[%dma_start3A_124] : memref<2x!tpu.dma_semaphore, #tpu.memory_space<semaphore_mem>> -> memref<1x!tpu.dma_semaphore, #tpu.memory_space<semaphore_mem>>
    %dma_start3A_132 = tpu.memref_squeeze %dma_start3A_131 : memref<1x!tpu.dma_semaphore, #tpu.memory_space<semaphore_mem>> -> memref<!tpu.dma_semaphore, #tpu.memory_space<semaphore_mem>>
    %dma_start3A_133 = arith.constant 0 : i32
    %dma_start3A_134 = tpu.memref_slice %arg3[%add3A_122, %dma_start3A_133] : memref<16384x1024xf32, #tpu.memory_space<hbm>> -> memref<32x1024xf32, #tpu.memory_space<hbm>>
    %dma_start3A_135 = arith.constant 0 : i32
    %dma_start3A_136 = arith.constant 0 : i32
    %dma_start3A_137 = tpu.memref_slice %arg4[%dma_start3A_123, %dma_start3A_135, %dma_start3A_136] : memref<2x32x1024xf32, #tpu.memory_space<vmem>> -> memref<1x32x1024xf32, #tpu.memory_space<vmem>>
    %dma_start3A_138 = tpu.memref_squeeze %dma_start3A_137 : memref<1x32x1024xf32, #tpu.memory_space<vmem>> -> memref<32x1024xf32, #tpu.memory_space<vmem>>
    tpu.enqueue_dma source(%dma_start3A_138 : memref<32x1024xf32, #tpu.memory_space<vmem>>) target(%dma_start3A_134 : memref<32x1024xf32, #tpu.memory_space<hbm>>) target_semaphore(%dma_start3A_132 : memref<!tpu.dma_semaphore, #tpu.memory_space<semaphore_mem>>)
    %dma_wait3A_139 = arith.constant 1 : i32
    %dma_wait3A_140 = arith.constant 1 : i32
    %dma_wait3A_141 = arith.constant 0 : i32
    %dma_wait3A_142 = arith.constant 0 : i32
    %dma_wait3A_143 = tpu.memref_slice %arg4[%dma_wait3A_139, %dma_wait3A_141, %dma_wait3A_142] : memref<2x32x1024xf32, #tpu.memory_space<vmem>> -> memref<1x32x1024xf32, #tpu.memory_space<vmem>>
    %dma_wait3A_144 = tpu.memref_squeeze %dma_wait3A_143 : memref<1x32x1024xf32, #tpu.memory_space<vmem>> -> memref<32x1024xf32, #tpu.memory_space<vmem>>
    %dma_wait3A_145 = arith.constant 0 : i32
    %dma_wait3A_146 = tpu.memref_slice %arg3[%add3A_122, %dma_wait3A_145] : memref<16384x1024xf32, #tpu.memory_space<hbm>> -> memref<32x1024xf32, #tpu.memory_space<hbm>>
    %dma_wait3A_147 = tpu.memref_slice %arg6[%dma_wait3A_140] : memref<2x!tpu.dma_semaphore, #tpu.memory_space<semaphore_mem>> -> memref<1x!tpu.dma_semaphore, #tpu.memory_space<semaphore_mem>>
    %dma_wait3A_148 = tpu.memref_squeeze %dma_wait3A_147 : memref<1x!tpu.dma_semaphore, #tpu.memory_space<semaphore_mem>> -> memref<!tpu.dma_semaphore, #tpu.memory_space<semaphore_mem>>
    %dma_wait3A_149 = arith.constant 0 : i32
    %dma_wait3A_150 = tpu.memref_slice %arg3[%add3A_122, %dma_wait3A_149] : memref<16384x1024xf32, #tpu.memory_space<hbm>> -> memref<32x1024xf32, #tpu.memory_space<hbm>>
    %dma_wait3A_151 = arith.constant 0 : i32
    %dma_wait3A_152 = arith.constant 0 : i32
    %dma_wait3A_153 = tpu.memref_slice %arg4[%dma_wait3A_139, %dma_wait3A_151, %dma_wait3A_152] : memref<2x32x1024xf32, #tpu.memory_space<vmem>> -> memref<1x32x1024xf32, #tpu.memory_space<vmem>>
    %dma_wait3A_154 = tpu.memref_squeeze %dma_wait3A_153 : memref<1x32x1024xf32, #tpu.memory_space<vmem>> -> memref<32x1024xf32, #tpu.memory_space<vmem>>
    tpu.wait_dma2 semaphore(%dma_wait3A_148 : memref<!tpu.dma_semaphore, #tpu.memory_space<semaphore_mem>>) src(%dma_wait3A_154 : memref<32x1024xf32, #tpu.memory_space<vmem>>) dst(%dma_wait3A_150 : memref<32x1024xf32, #tpu.memory_space<hbm>>)
    %add3A_155 = arith.constant 96 : i32
    %add3A_156 = arith.addi %mul3A_2, %add3A_155 : i32
    %dma_start3A_157 = arith.constant 1 : i32
    %dma_start3A_158 = arith.constant 1 : i32
    %dma_start3A_159 = arith.constant 0 : i32
    %dma_start3A_160 = arith.constant 0 : i32
    %dma_start3A_161 = tpu.memref_slice %arg4[%dma_start3A_157, %dma_start3A_159, %dma_start3A_160] : memref<2x32x1024xf32, #tpu.memory_space<vmem>> -> memref<1x32x1024xf32, #tpu.memory_space<vmem>>
    %dma_start3A_162 = tpu.memref_squeeze %dma_start3A_161 : memref<1x32x1024xf32, #tpu.memory_space<vmem>> -> memref<32x1024xf32, #tpu.memory_space<vmem>>
    %dma_start3A_163 = arith.constant 0 : i32
    %dma_start3A_164 = tpu.memref_slice %arg2[%add3A_156, %dma_start3A_163] : memref<16384x1024xf32, #tpu.memory_space<hbm>> -> memref<32x1024xf32, #tpu.memory_space<hbm>>
    %dma_start3A_165 = tpu.memref_slice %arg5[%dma_start3A_158] : memref<2x!tpu.dma_semaphore, #tpu.memory_space<semaphore_mem>> -> memref<1x!tpu.dma_semaphore, #tpu.memory_space<semaphore_mem>>
    %dma_start3A_166 = tpu.memref_squeeze %dma_start3A_165 : memref<1x!tpu.dma_semaphore, #tpu.memory_space<semaphore_mem>> -> memref<!tpu.dma_semaphore, #tpu.memory_space<semaphore_mem>>
    %dma_start3A_167 = arith.constant 0 : i32
    %dma_start3A_168 = arith.constant 0 : i32
    %dma_start3A_169 = tpu.memref_slice %arg4[%dma_start3A_157, %dma_start3A_167, %dma_start3A_168] : memref<2x32x1024xf32, #tpu.memory_space<vmem>> -> memref<1x32x1024xf32, #tpu.memory_space<vmem>>
    %dma_start3A_170 = tpu.memref_squeeze %dma_start3A_169 : memref<1x32x1024xf32, #tpu.memory_space<vmem>> -> memref<32x1024xf32, #tpu.memory_space<vmem>>
    %dma_start3A_171 = arith.constant 0 : i32
    %dma_start3A_172 = tpu.memref_slice %arg2[%add3A_156, %dma_start3A_171] : memref<16384x1024xf32, #tpu.memory_space<hbm>> -> memref<32x1024xf32, #tpu.memory_space<hbm>>
    tpu.enqueue_dma source(%dma_start3A_172 : memref<32x1024xf32, #tpu.memory_space<hbm>>) target(%dma_start3A_170 : memref<32x1024xf32, #tpu.memory_space<vmem>>) target_semaphore(%dma_start3A_166 : memref<!tpu.dma_semaphore, #tpu.memory_space<semaphore_mem>>)
    %dma_wait3A_173 = arith.constant 0 : i32
    %dma_wait3A_174 = arith.constant 0 : i32
    %dma_wait3A_175 = arith.constant 0 : i32
    %dma_wait3A_176 = arith.constant 0 : i32
    %dma_wait3A_177 = tpu.memref_slice %arg4[%dma_wait3A_173, %dma_wait3A_175, %dma_wait3A_176] : memref<2x32x1024xf32, #tpu.memory_space<vmem>> -> memref<1x32x1024xf32, #tpu.memory_space<vmem>>
    %dma_wait3A_178 = tpu.memref_squeeze %dma_wait3A_177 : memref<1x32x1024xf32, #tpu.memory_space<vmem>> -> memref<32x1024xf32, #tpu.memory_space<vmem>>
    %dma_wait3A_179 = arith.constant 0 : i32
    %dma_wait3A_180 = tpu.memref_slice %arg2[%add3A_88, %dma_wait3A_179] : memref<16384x1024xf32, #tpu.memory_space<hbm>> -> memref<32x1024xf32, #tpu.memory_space<hbm>>
    %dma_wait3A_181 = tpu.memref_slice %arg5[%dma_wait3A_174] : memref<2x!tpu.dma_semaphore, #tpu.memory_space<semaphore_mem>> -> memref<1x!tpu.dma_semaphore, #tpu.memory_space<semaphore_mem>>
    %dma_wait3A_182 = tpu.memref_squeeze %dma_wait3A_181 : memref<1x!tpu.dma_semaphore, #tpu.memory_space<semaphore_mem>> -> memref<!tpu.dma_semaphore, #tpu.memory_space<semaphore_mem>>
    %dma_wait3A_183 = arith.constant 0 : i32
    %dma_wait3A_184 = arith.constant 0 : i32
    %dma_wait3A_185 = tpu.memref_slice %arg4[%dma_wait3A_173, %dma_wait3A_183, %dma_wait3A_184] : memref<2x32x1024xf32, #tpu.memory_space<vmem>> -> memref<1x32x1024xf32, #tpu.memory_space<vmem>>
    %dma_wait3A_186 = tpu.memref_squeeze %dma_wait3A_185 : memref<1x32x1024xf32, #tpu.memory_space<vmem>> -> memref<32x1024xf32, #tpu.memory_space<vmem>>
    %dma_wait3A_187 = arith.constant 0 : i32
    %dma_wait3A_188 = tpu.memref_slice %arg2[%add3A_88, %dma_wait3A_187] : memref<16384x1024xf32, #tpu.memory_space<hbm>> -> memref<32x1024xf32, #tpu.memory_space<hbm>>
    tpu.wait_dma2 semaphore(%dma_wait3A_182 : memref<!tpu.dma_semaphore, #tpu.memory_space<semaphore_mem>>) src(%dma_wait3A_188 : memref<32x1024xf32, #tpu.memory_space<hbm>>) dst(%dma_wait3A_186 : memref<32x1024xf32, #tpu.memory_space<vmem>>)
    %add3A_189 = arith.constant 64 : i32
    %add3A_190 = arith.addi %mul3A_2, %add3A_189 : i32
    %dma_start3A_191 = arith.constant 0 : i32
    %dma_start3A_192 = arith.constant 0 : i32
    %dma_start3A_193 = arith.constant 0 : i32
    %dma_start3A_194 = arith.constant 0 : i32
    %dma_start3A_195 = tpu.memref_slice %arg4[%dma_start3A_191, %dma_start3A_193, %dma_start3A_194] : memref<2x32x1024xf32, #tpu.memory_space<vmem>> -> memref<1x32x1024xf32, #tpu.memory_space<vmem>>
    %dma_start3A_196 = tpu.memref_squeeze %dma_start3A_195 : memref<1x32x1024xf32, #tpu.memory_space<vmem>> -> memref<32x1024xf32, #tpu.memory_space<vmem>>
    %dma_start3A_197 = arith.constant 0 : i32
    %dma_start3A_198 = tpu.memref_slice %arg3[%add3A_190, %dma_start3A_197] : memref<16384x1024xf32, #tpu.memory_space<hbm>> -> memref<32x1024xf32, #tpu.memory_space<hbm>>
    %dma_start3A_199 = tpu.memref_slice %arg6[%dma_start3A_192] : memref<2x!tpu.dma_semaphore, #tpu.memory_space<semaphore_mem>> -> memref<1x!tpu.dma_semaphore, #tpu.memory_space<semaphore_mem>>
    %dma_start3A_200 = tpu.memref_squeeze %dma_start3A_199 : memref<1x!tpu.dma_semaphore, #tpu.memory_space<semaphore_mem>> -> memref<!tpu.dma_semaphore, #tpu.memory_space<semaphore_mem>>
    %dma_start3A_201 = arith.constant 0 : i32
    %dma_start3A_202 = tpu.memref_slice %arg3[%add3A_190, %dma_start3A_201] : memref<16384x1024xf32, #tpu.memory_space<hbm>> -> memref<32x1024xf32, #tpu.memory_space<hbm>>
    %dma_start3A_203 = arith.constant 0 : i32
    %dma_start3A_204 = arith.constant 0 : i32
    %dma_start3A_205 = tpu.memref_slice %arg4[%dma_start3A_191, %dma_start3A_203, %dma_start3A_204] : memref<2x32x1024xf32, #tpu.memory_space<vmem>> -> memref<1x32x1024xf32, #tpu.memory_space<vmem>>
    %dma_start3A_206 = tpu.memref_squeeze %dma_start3A_205 : memref<1x32x1024xf32, #tpu.memory_space<vmem>> -> memref<32x1024xf32, #tpu.memory_space<vmem>>
    tpu.enqueue_dma source(%dma_start3A_206 : memref<32x1024xf32, #tpu.memory_space<vmem>>) target(%dma_start3A_202 : memref<32x1024xf32, #tpu.memory_space<hbm>>) target_semaphore(%dma_start3A_200 : memref<!tpu.dma_semaphore, #tpu.memory_space<semaphore_mem>>)
    %dma_wait3A_207 = arith.constant 0 : i32
    %dma_wait3A_208 = arith.constant 0 : i32
    %dma_wait3A_209 = arith.constant 0 : i32
    %dma_wait3A_210 = arith.constant 0 : i32
    %dma_wait3A_211 = tpu.memref_slice %arg4[%dma_wait3A_207, %dma_wait3A_209, %dma_wait3A_210] : memref<2x32x1024xf32, #tpu.memory_space<vmem>> -> memref<1x32x1024xf32, #tpu.memory_space<vmem>>
    %dma_wait3A_212 = tpu.memref_squeeze %dma_wait3A_211 : memref<1x32x1024xf32, #tpu.memory_space<vmem>> -> memref<32x1024xf32, #tpu.memory_space<vmem>>
    %dma_wait3A_213 = arith.constant 0 : i32
    %dma_wait3A_214 = tpu.memref_slice %arg3[%add3A_190, %dma_wait3A_213] : memref<16384x1024xf32, #tpu.memory_space<hbm>> -> memref<32x1024xf32, #tpu.memory_space<hbm>>
    %dma_wait3A_215 = tpu.memref_slice %arg6[%dma_wait3A_208] : memref<2x!tpu.dma_semaphore, #tpu.memory_space<semaphore_mem>> -> memref<1x!tpu.dma_semaphore, #tpu.memory_space<semaphore_mem>>
    %dma_wait3A_216 = tpu.memref_squeeze %dma_wait3A_215 : memref<1x!tpu.dma_semaphore, #tpu.memory_space<semaphore_mem>> -> memref<!tpu.dma_semaphore, #tpu.memory_space<semaphore_mem>>
    %dma_wait3A_217 = arith.constant 0 : i32
    %dma_wait3A_218 = tpu.memref_slice %arg3[%add3A_190, %dma_wait3A_217] : memref<16384x1024xf32, #tpu.memory_space<hbm>> -> memref<32x1024xf32, #tpu.memory_space<hbm>>
    %dma_wait3A_219 = arith.constant 0 : i32
    %dma_wait3A_220 = arith.constant 0 : i32
    %dma_wait3A_221 = tpu.memref_slice %arg4[%dma_wait3A_207, %dma_wait3A_219, %dma_wait3A_220] : memref<2x32x1024xf32, #tpu.memory_space<vmem>> -> memref<1x32x1024xf32, #tpu.memory_space<vmem>>
    %dma_wait3A_222 = tpu.memref_squeeze %dma_wait3A_221 : memref<1x32x1024xf32, #tpu.memory_space<vmem>> -> memref<32x1024xf32, #tpu.memory_space<vmem>>
    tpu.wait_dma2 semaphore(%dma_wait3A_216 : memref<!tpu.dma_semaphore, #tpu.memory_space<semaphore_mem>>) src(%dma_wait3A_222 : memref<32x1024xf32, #tpu.memory_space<vmem>>) dst(%dma_wait3A_218 : memref<32x1024xf32, #tpu.memory_space<hbm>>)
    %add3A_223 = arith.constant 128 : i32
    %add3A_224 = arith.addi %mul3A_2, %add3A_223 : i32
    %dma_start3A_225 = arith.constant 0 : i32
    %dma_start3A_226 = arith.constant 0 : i32
    %dma_start3A_227 = arith.constant 0 : i32
    %dma_start3A_228 = arith.constant 0 : i32
    %dma_start3A_229 = tpu.memref_slice %arg4[%dma_start3A_225, %dma_start3A_227, %dma_start3A_228] : memref<2x32x1024xf32, #tpu.memory_space<vmem>> -> memref<1x32x1024xf32, #tpu.memory_space<vmem>>
    %dma_start3A_230 = tpu.memref_squeeze %dma_start3A_229 : memref<1x32x1024xf32, #tpu.memory_space<vmem>> -> memref<32x1024xf32, #tpu.memory_space<vmem>>
    %dma_start3A_231 = arith.constant 0 : i32
    %dma_start3A_232 = tpu.memref_slice %arg2[%add3A_224, %dma_start3A_231] : memref<16384x1024xf32, #tpu.memory_space<hbm>> -> memref<32x1024xf32, #tpu.memory_space<hbm>>
    %dma_start3A_233 = tpu.memref_slice %arg5[%dma_start3A_226] : memref<2x!tpu.dma_semaphore, #tpu.memory_space<semaphore_mem>> -> memref<1x!tpu.dma_semaphore, #tpu.memory_space<semaphore_mem>>
    %dma_start3A_234 = tpu.memref_squeeze %dma_start3A_233 : memref<1x!tpu.dma_semaphore, #tpu.memory_space<semaphore_mem>> -> memref<!tpu.dma_semaphore, #tpu.memory_space<semaphore_mem>>
    %dma_start3A_235 = arith.constant 0 : i32
    %dma_start3A_236 = arith.constant 0 : i32
    %dma_start3A_237 = tpu.memref_slice %arg4[%dma_start3A_225, %dma_start3A_235, %dma_start3A_236] : memref<2x32x1024xf32, #tpu.memory_space<vmem>> -> memref<1x32x1024xf32, #tpu.memory_space<vmem>>
    %dma_start3A_238 = tpu.memref_squeeze %dma_start3A_237 : memref<1x32x1024xf32, #tpu.memory_space<vmem>> -> memref<32x1024xf32, #tpu.memory_space<vmem>>
    %dma_start3A_239 = arith.constant 0 : i32
    %dma_start3A_240 = tpu.memref_slice %arg2[%add3A_224, %dma_start3A_239] : memref<16384x1024xf32, #tpu.memory_space<hbm>> -> memref<32x1024xf32, #tpu.memory_space<hbm>>
    tpu.enqueue_dma source(%dma_start3A_240 : memref<32x1024xf32, #tpu.memory_space<hbm>>) target(%dma_start3A_238 : memref<32x1024xf32, #tpu.memory_space<vmem>>) target_semaphore(%dma_start3A_234 : memref<!tpu.dma_semaphore, #tpu.memory_space<semaphore_mem>>)
    %dma_wait3A_241 = arith.constant 1 : i32
    %dma_wait3A_242 = arith.constant 1 : i32
    %dma_wait3A_243 = arith.constant 0 : i32
    %dma_wait3A_244 = arith.constant 0 : i32
    %dma_wait3A_245 = tpu.memref_slice %arg4[%dma_wait3A_241, %dma_wait3A_243, %dma_wait3A_244] : memref<2x32x1024xf32, #tpu.memory_space<vmem>> -> memref<1x32x1024xf32, #tpu.memory_space<vmem>>
    %dma_wait3A_246 = tpu.memref_squeeze %dma_wait3A_245 : memref<1x32x1024xf32, #tpu.memory_space<vmem>> -> memref<32x1024xf32, #tpu.memory_space<vmem>>
    %dma_wait3A_247 = arith.constant 0 : i32
    %dma_wait3A_248 = tpu.memref_slice %arg2[%add3A_156, %dma_wait3A_247] : memref<16384x1024xf32, #tpu.memory_space<hbm>> -> memref<32x1024xf32, #tpu.memory_space<hbm>>
    %dma_wait3A_249 = tpu.memref_slice %arg5[%dma_wait3A_242] : memref<2x!tpu.dma_semaphore, #tpu.memory_space<semaphore_mem>> -> memref<1x!tpu.dma_semaphore, #tpu.memory_space<semaphore_mem>>
    %dma_wait3A_250 = tpu.memref_squeeze %dma_wait3A_249 : memref<1x!tpu.dma_semaphore, #tpu.memory_space<semaphore_mem>> -> memref<!tpu.dma_semaphore, #tpu.memory_space<semaphore_mem>>
    %dma_wait3A_251 = arith.constant 0 : i32
    %dma_wait3A_252 = arith.constant 0 : i32
    %dma_wait3A_253 = tpu.memref_slice %arg4[%dma_wait3A_241, %dma_wait3A_251, %dma_wait3A_252] : memref<2x32x1024xf32, #tpu.memory_space<vmem>> -> memref<1x32x1024xf32, #tpu.memory_space<vmem>>
    %dma_wait3A_254 = tpu.memref_squeeze %dma_wait3A_253 : memref<1x32x1024xf32, #tpu.memory_space<vmem>> -> memref<32x1024xf32, #tpu.memory_space<vmem>>
    %dma_wait3A_255 = arith.constant 0 : i32
    %dma_wait3A_256 = tpu.memref_slice %arg2[%add3A_156, %dma_wait3A_255] : memref<16384x1024xf32, #tpu.memory_space<hbm>> -> memref<32x1024xf32, #tpu.memory_space<hbm>>
    tpu.wait_dma2 semaphore(%dma_wait3A_250 : memref<!tpu.dma_semaphore, #tpu.memory_space<semaphore_mem>>) src(%dma_wait3A_256 : memref<32x1024xf32, #tpu.memory_space<hbm>>) dst(%dma_wait3A_254 : memref<32x1024xf32, #tpu.memory_space<vmem>>)
    %add3A_257 = arith.constant 96 : i32
    %add3A_258 = arith.addi %mul3A_2, %add3A_257 : i32
    %dma_start3A_259 = arith.constant 1 : i32
    %dma_start3A_260 = arith.constant 1 : i32
    %dma_start3A_261 = arith.constant 0 : i32
    %dma_start3A_262 = arith.constant 0 : i32
    %dma_start3A_263 = tpu.memref_slice %arg4[%dma_start3A_259, %dma_start3A_261, %dma_start3A_262] : memref<2x32x1024xf32, #tpu.memory_space<vmem>> -> memref<1x32x1024xf32, #tpu.memory_space<vmem>>
    %dma_start3A_264 = tpu.memref_squeeze %dma_start3A_263 : memref<1x32x1024xf32, #tpu.memory_space<vmem>> -> memref<32x1024xf32, #tpu.memory_space<vmem>>
    %dma_start3A_265 = arith.constant 0 : i32
    %dma_start3A_266 = tpu.memref_slice %arg3[%add3A_258, %dma_start3A_265] : memref<16384x1024xf32, #tpu.memory_space<hbm>> -> memref<32x1024xf32, #tpu.memory_space<hbm>>
    %dma_start3A_267 = tpu.memref_slice %arg6[%dma_start3A_260] : memref<2x!tpu.dma_semaphore, #tpu.memory_space<semaphore_mem>> -> memref<1x!tpu.dma_semaphore, #tpu.memory_space<semaphore_mem>>
    %dma_start3A_268 = tpu.memref_squeeze %dma_start3A_267 : memref<1x!tpu.dma_semaphore, #tpu.memory_space<semaphore_mem>> -> memref<!tpu.dma_semaphore, #tpu.memory_space<semaphore_mem>>
    %dma_start3A_269 = arith.constant 0 : i32
    %dma_start3A_270 = tpu.memref_slice %arg3[%add3A_258, %dma_start3A_269] : memref<16384x1024xf32, #tpu.memory_space<hbm>> -> memref<32x1024xf32, #tpu.memory_space<hbm>>
    %dma_start3A_271 = arith.constant 0 : i32
    %dma_start3A_272 = arith.constant 0 : i32
    %dma_start3A_273 = tpu.memref_slice %arg4[%dma_start3A_259, %dma_start3A_271, %dma_start3A_272] : memref<2x32x1024xf32, #tpu.memory_space<vmem>> -> memref<1x32x1024xf32, #tpu.memory_space<vmem>>
    %dma_start3A_274 = tpu.memref_squeeze %dma_start3A_273 : memref<1x32x1024xf32, #tpu.memory_space<vmem>> -> memref<32x1024xf32, #tpu.memory_space<vmem>>
    tpu.enqueue_dma source(%dma_start3A_274 : memref<32x1024xf32, #tpu.memory_space<vmem>>) target(%dma_start3A_270 : memref<32x1024xf32, #tpu.memory_space<hbm>>) target_semaphore(%dma_start3A_268 : memref<!tpu.dma_semaphore, #tpu.memory_space<semaphore_mem>>)
    %dma_wait3A_275 = arith.constant 1 : i32
    %dma_wait3A_276 = arith.constant 1 : i32
    %dma_wait3A_277 = arith.constant 0 : i32
    %dma_wait3A_278 = arith.constant 0 : i32
    %dma_wait3A_279 = tpu.memref_slice %arg4[%dma_wait3A_275, %dma_wait3A_277, %dma_wait3A_278] : memref<2x32x1024xf32, #tpu.memory_space<vmem>> -> memref<1x32x1024xf32, #tpu.memory_space<vmem>>
    %dma_wait3A_280 = tpu.memref_squeeze %dma_wait3A_279 : memref<1x32x1024xf32, #tpu.memory_space<vmem>> -> memref<32x1024xf32, #tpu.memory_space<vmem>>
    %dma_wait3A_281 = arith.constant 0 : i32
    %dma_wait3A_282 = tpu.memref_slice %arg3[%add3A_258, %dma_wait3A_281] : memref<16384x1024xf32, #tpu.memory_space<hbm>> -> memref<32x1024xf32, #tpu.memory_space<hbm>>
    %dma_wait3A_283 = tpu.memref_slice %arg6[%dma_wait3A_276] : memref<2x!tpu.dma_semaphore, #tpu.memory_space<semaphore_mem>> -> memref<1x!tpu.dma_semaphore, #tpu.memory_space<semaphore_mem>>
    %dma_wait3A_284 = tpu.memref_squeeze %dma_wait3A_283 : memref<1x!tpu.dma_semaphore, #tpu.memory_space<semaphore_mem>> -> memref<!tpu.dma_semaphore, #tpu.memory_space<semaphore_mem>>
    %dma_wait3A_285 = arith.constant 0 : i32
    %dma_wait3A_286 = tpu.memref_slice %arg3[%add3A_258, %dma_wait3A_285] : memref<16384x1024xf32, #tpu.memory_space<hbm>> -> memref<32x1024xf32, #tpu.memory_space<hbm>>
    %dma_wait3A_287 = arith.constant 0 : i32
    %dma_wait3A_288 = arith.constant 0 : i32
    %dma_wait3A_289 = tpu.memref_slice %arg4[%dma_wait3A_275, %dma_wait3A_287, %dma_wait3A_288] : memref<2x32x1024xf32, #tpu.memory_space<vmem>> -> memref<1x32x1024xf32, #tpu.memory_space<vmem>>
    %dma_wait3A_290 = tpu.memref_squeeze %dma_wait3A_289 : memref<1x32x1024xf32, #tpu.memory_space<vmem>> -> memref<32x1024xf32, #tpu.memory_space<vmem>>
    tpu.wait_dma2 semaphore(%dma_wait3A_284 : memref<!tpu.dma_semaphore, #tpu.memory_space<semaphore_mem>>) src(%dma_wait3A_290 : memref<32x1024xf32, #tpu.memory_space<vmem>>) dst(%dma_wait3A_286 : memref<32x1024xf32, #tpu.memory_space<hbm>>)
    %add3A_291 = arith.constant 160 : i32
    %add3A_292 = arith.addi %mul3A_2, %add3A_291 : i32
    %dma_start3A_293 = arith.constant 1 : i32
    %dma_start3A_294 = arith.constant 1 : i32
    %dma_start3A_295 = arith.constant 0 : i32
    %dma_start3A_296 = arith.constant 0 : i32
    %dma_start3A_297 = tpu.memref_slice %arg4[%dma_start3A_293, %dma_start3A_295, %dma_start3A_296] : memref<2x32x1024xf32, #tpu.memory_space<vmem>> -> memref<1x32x1024xf32, #tpu.memory_space<vmem>>
    %dma_start3A_298 = tpu.memref_squeeze %dma_start3A_297 : memref<1x32x1024xf32, #tpu.memory_space<vmem>> -> memref<32x1024xf32, #tpu.memory_space<vmem>>
    %dma_start3A_299 = arith.constant 0 : i32
    %dma_start3A_300 = tpu.memref_slice %arg2[%add3A_292, %dma_start3A_299] : memref<16384x1024xf32, #tpu.memory_space<hbm>> -> memref<32x1024xf32, #tpu.memory_space<hbm>>
    %dma_start3A_301 = tpu.memref_slice %arg5[%dma_start3A_294] : memref<2x!tpu.dma_semaphore, #tpu.memory_space<semaphore_mem>> -> memref<1x!tpu.dma_semaphore, #tpu.memory_space<semaphore_mem>>
    %dma_start3A_302 = tpu.memref_squeeze %dma_start3A_301 : memref<1x!tpu.dma_semaphore, #tpu.memory_space<semaphore_mem>> -> memref<!tpu.dma_semaphore, #tpu.memory_space<semaphore_mem>>
    %dma_start3A_303 = arith.constant 0 : i32
    %dma_start3A_304 = arith.constant 0 : i32
    %dma_start3A_305 = tpu.memref_slice %arg4[%dma_start3A_293, %dma_start3A_303, %dma_start3A_304] : memref<2x32x1024xf32, #tpu.memory_space<vmem>> -> memref<1x32x1024xf32, #tpu.memory_space<vmem>>
    %dma_start3A_306 = tpu.memref_squeeze %dma_start3A_305 : memref<1x32x1024xf32, #tpu.memory_space<vmem>> -> memref<32x1024xf32, #tpu.memory_space<vmem>>
    %dma_start3A_307 = arith.constant 0 : i32
    %dma_start3A_308 = tpu.memref_slice %arg2[%add3A_292, %dma_start3A_307] : memref<16384x1024xf32, #tpu.memory_space<hbm>> -> memref<32x1024xf32, #tpu.memory_space<hbm>>
    tpu.enqueue_dma source(%dma_start3A_308 : memref<32x1024xf32, #tpu.memory_space<hbm>>) target(%dma_start3A_306 : memref<32x1024xf32, #tpu.memory_space<vmem>>) target_semaphore(%dma_start3A_302 : memref<!tpu.dma_semaphore, #tpu.memory_space<semaphore_mem>>)
    %dma_wait3A_309 = arith.constant 0 : i32
    %dma_wait3A_310 = arith.constant 0 : i32
    %dma_wait3A_311 = arith.constant 0 : i32
    %dma_wait3A_312 = arith.constant 0 : i32
    %dma_wait3A_313 = tpu.memref_slice %arg4[%dma_wait3A_309, %dma_wait3A_311, %dma_wait3A_312] : memref<2x32x1024xf32, #tpu.memory_space<vmem>> -> memref<1x32x1024xf32, #tpu.memory_space<vmem>>
    %dma_wait3A_314 = tpu.memref_squeeze %dma_wait3A_313 : memref<1x32x1024xf32, #tpu.memory_space<vmem>> -> memref<32x1024xf32, #tpu.memory_space<vmem>>
    %dma_wait3A_315 = arith.constant 0 : i32
    %dma_wait3A_316 = tpu.memref_slice %arg2[%add3A_224, %dma_wait3A_315] : memref<16384x1024xf32, #tpu.memory_space<hbm>> -> memref<32x1024xf32, #tpu.memory_space<hbm>>
    %dma_wait3A_317 = tpu.memref_slice %arg5[%dma_wait3A_310] : memref<2x!tpu.dma_semaphore, #tpu.memory_space<semaphore_mem>> -> memref<1x!tpu.dma_semaphore, #tpu.memory_space<semaphore_mem>>
    %dma_wait3A_318 = tpu.memref_squeeze %dma_wait3A_317 : memref<1x!tpu.dma_semaphore, #tpu.memory_space<semaphore_mem>> -> memref<!tpu.dma_semaphore, #tpu.memory_space<semaphore_mem>>
    %dma_wait3A_319 = arith.constant 0 : i32
    %dma_wait3A_320 = arith.constant 0 : i32
    %dma_wait3A_321 = tpu.memref_slice %arg4[%dma_wait3A_309, %dma_wait3A_319, %dma_wait3A_320] : memref<2x32x1024xf32, #tpu.memory_space<vmem>> -> memref<1x32x1024xf32, #tpu.memory_space<vmem>>
    %dma_wait3A_322 = tpu.memref_squeeze %dma_wait3A_321 : memref<1x32x1024xf32, #tpu.memory_space<vmem>> -> memref<32x1024xf32, #tpu.memory_space<vmem>>
    %dma_wait3A_323 = arith.constant 0 : i32
    %dma_wait3A_324 = tpu.memref_slice %arg2[%add3A_224, %dma_wait3A_323] : memref<16384x1024xf32, #tpu.memory_space<hbm>> -> memref<32x1024xf32, #tpu.memory_space<hbm>>
    tpu.wait_dma2 semaphore(%dma_wait3A_318 : memref<!tpu.dma_semaphore, #tpu.memory_space<semaphore_mem>>) src(%dma_wait3A_324 : memref<32x1024xf32, #tpu.memory_space<hbm>>) dst(%dma_wait3A_322 : memref<32x1024xf32, #tpu.memory_space<vmem>>)
    %add3A_325 = arith.constant 128 : i32
    %add3A_326 = arith.addi %mul3A_2, %add3A_325 : i32
    %dma_start3A_327 = arith.constant 0 : i32
    %dma_start3A_328 = arith.constant 0 : i32
    %dma_start3A_329 = arith.constant 0 : i32
    %dma_start3A_330 = arith.constant 0 : i32
    %dma_start3A_331 = tpu.memref_slice %arg4[%dma_start3A_327, %dma_start3A_329, %dma_start3A_330] : memref<2x32x1024xf32, #tpu.memory_space<vmem>> -> memref<1x32x1024xf32, #tpu.memory_space<vmem>>
    %dma_start3A_332 = tpu.memref_squeeze %dma_start3A_331 : memref<1x32x1024xf32, #tpu.memory_space<vmem>> -> memref<32x1024xf32, #tpu.memory_space<vmem>>
    %dma_start3A_333 = arith.constant 0 : i32
    %dma_start3A_334 = tpu.memref_slice %arg3[%add3A_326, %dma_start3A_333] : memref<16384x1024xf32, #tpu.memory_space<hbm>> -> memref<32x1024xf32, #tpu.memory_space<hbm>>
    %dma_start3A_335 = tpu.memref_slice %arg6[%dma_start3A_328] : memref<2x!tpu.dma_semaphore, #tpu.memory_space<semaphore_mem>> -> memref<1x!tpu.dma_semaphore, #tpu.memory_space<semaphore_mem>>
    %dma_start3A_336 = tpu.memref_squeeze %dma_start3A_335 : memref<1x!tpu.dma_semaphore, #tpu.memory_space<semaphore_mem>> -> memref<!tpu.dma_semaphore, #tpu.memory_space<semaphore_mem>>
    %dma_start3A_337 = arith.constant 0 : i32
    %dma_start3A_338 = tpu.memref_slice %arg3[%add3A_326, %dma_start3A_337] : memref<16384x1024xf32, #tpu.memory_space<hbm>> -> memref<32x1024xf32, #tpu.memory_space<hbm>>
    %dma_start3A_339 = arith.constant 0 : i32
    %dma_start3A_340 = arith.constant 0 : i32
    %dma_start3A_341 = tpu.memref_slice %arg4[%dma_start3A_327, %dma_start3A_339, %dma_start3A_340] : memref<2x32x1024xf32, #tpu.memory_space<vmem>> -> memref<1x32x1024xf32, #tpu.memory_space<vmem>>
    %dma_start3A_342 = tpu.memref_squeeze %dma_start3A_341 : memref<1x32x1024xf32, #tpu.memory_space<vmem>> -> memref<32x1024xf32, #tpu.memory_space<vmem>>
    tpu.enqueue_dma source(%dma_start3A_342 : memref<32x1024xf32, #tpu.memory_space<vmem>>) target(%dma_start3A_338 : memref<32x1024xf32, #tpu.memory_space<hbm>>) target_semaphore(%dma_start3A_336 : memref<!tpu.dma_semaphore, #tpu.memory_space<semaphore_mem>>)
    %dma_wait3A_343 = arith.constant 0 : i32
    %dma_wait3A_344 = arith.constant 0 : i32
    %dma_wait3A_345 = arith.constant 0 : i32
    %dma_wait3A_346 = arith.constant 0 : i32
    %dma_wait3A_347 = tpu.memref_slice %arg4[%dma_wait3A_343, %dma_wait3A_345, %dma_wait3A_346] : memref<2x32x1024xf32, #tpu.memory_space<vmem>> -> memref<1x32x1024xf32, #tpu.memory_space<vmem>>
    %dma_wait3A_348 = tpu.memref_squeeze %dma_wait3A_347 : memref<1x32x1024xf32, #tpu.memory_space<vmem>> -> memref<32x1024xf32, #tpu.memory_space<vmem>>
    %dma_wait3A_349 = arith.constant 0 : i32
    %dma_wait3A_350 = tpu.memref_slice %arg3[%add3A_326, %dma_wait3A_349] : memref<16384x1024xf32, #tpu.memory_space<hbm>> -> memref<32x1024xf32, #tpu.memory_space<hbm>>
    %dma_wait3A_351 = tpu.memref_slice %arg6[%dma_wait3A_344] : memref<2x!tpu.dma_semaphore, #tpu.memory_space<semaphore_mem>> -> memref<1x!tpu.dma_semaphore, #tpu.memory_space<semaphore_mem>>
    %dma_wait3A_352 = tpu.memref_squeeze %dma_wait3A_351 : memref<1x!tpu.dma_semaphore, #tpu.memory_space<semaphore_mem>> -> memref<!tpu.dma_semaphore, #tpu.memory_space<semaphore_mem>>
    %dma_wait3A_353 = arith.constant 0 : i32
    %dma_wait3A_354 = tpu.memref_slice %arg3[%add3A_326, %dma_wait3A_353] : memref<16384x1024xf32, #tpu.memory_space<hbm>> -> memref<32x1024xf32, #tpu.memory_space<hbm>>
    %dma_wait3A_355 = arith.constant 0 : i32
    %dma_wait3A_356 = arith.constant 0 : i32
    %dma_wait3A_357 = tpu.memref_slice %arg4[%dma_wait3A_343, %dma_wait3A_355, %dma_wait3A_356] : memref<2x32x1024xf32, #tpu.memory_space<vmem>> -> memref<1x32x1024xf32, #tpu.memory_space<vmem>>
    %dma_wait3A_358 = tpu.memref_squeeze %dma_wait3A_357 : memref<1x32x1024xf32, #tpu.memory_space<vmem>> -> memref<32x1024xf32, #tpu.memory_space<vmem>>
    tpu.wait_dma2 semaphore(%dma_wait3A_352 : memref<!tpu.dma_semaphore, #tpu.memory_space<semaphore_mem>>) src(%dma_wait3A_358 : memref<32x1024xf32, #tpu.memory_space<vmem>>) dst(%dma_wait3A_354 : memref<32x1024xf32, #tpu.memory_space<hbm>>)
    %add3A_359 = arith.constant 192 : i32
    %add3A_360 = arith.addi %mul3A_2, %add3A_359 : i32
    %dma_start3A_361 = arith.constant 0 : i32
    %dma_start3A_362 = arith.constant 0 : i32
    %dma_start3A_363 = arith.constant 0 : i32
    %dma_start3A_364 = arith.constant 0 : i32
    %dma_start3A_365 = tpu.memref_slice %arg4[%dma_start3A_361, %dma_start3A_363, %dma_start3A_364] : memref<2x32x1024xf32, #tpu.memory_space<vmem>> -> memref<1x32x1024xf32, #tpu.memory_space<vmem>>
    %dma_start3A_366 = tpu.memref_squeeze %dma_start3A_365 : memref<1x32x1024xf32, #tpu.memory_space<vmem>> -> memref<32x1024xf32, #tpu.memory_space<vmem>>
    %dma_start3A_367 = arith.constant 0 : i32
    %dma_start3A_368 = tpu.memref_slice %arg2[%add3A_360, %dma_start3A_367] : memref<16384x1024xf32, #tpu.memory_space<hbm>> -> memref<32x1024xf32, #tpu.memory_space<hbm>>
    %dma_start3A_369 = tpu.memref_slice %arg5[%dma_start3A_362] : memref<2x!tpu.dma_semaphore, #tpu.memory_space<semaphore_mem>> -> memref<1x!tpu.dma_semaphore, #tpu.memory_space<semaphore_mem>>
    %dma_start3A_370 = tpu.memref_squeeze %dma_start3A_369 : memref<1x!tpu.dma_semaphore, #tpu.memory_space<semaphore_mem>> -> memref<!tpu.dma_semaphore, #tpu.memory_space<semaphore_mem>>
    %dma_start3A_371 = arith.constant 0 : i32
    %dma_start3A_372 = arith.constant 0 : i32
    %dma_start3A_373 = tpu.memref_slice %arg4[%dma_start3A_361, %dma_start3A_371, %dma_start3A_372] : memref<2x32x1024xf32, #tpu.memory_space<vmem>> -> memref<1x32x1024xf32, #tpu.memory_space<vmem>>
    %dma_start3A_374 = tpu.memref_squeeze %dma_start3A_373 : memref<1x32x1024xf32, #tpu.memory_space<vmem>> -> memref<32x1024xf32, #tpu.memory_space<vmem>>
    %dma_start3A_375 = arith.constant 0 : i32
    %dma_start3A_376 = tpu.memref_slice %arg2[%add3A_360, %dma_start3A_375] : memref<16384x1024xf32, #tpu.memory_space<hbm>> -> memref<32x1024xf32, #tpu.memory_space<hbm>>
    tpu.enqueue_dma source(%dma_start3A_376 : memref<32x1024xf32, #tpu.memory_space<hbm>>) target(%dma_start3A_374 : memref<32x1024xf32, #tpu.memory_space<vmem>>) target_semaphore(%dma_start3A_370 : memref<!tpu.dma_semaphore, #tpu.memory_space<semaphore_mem>>)
    %dma_wait3A_377 = arith.constant 1 : i32
    %dma_wait3A_378 = arith.constant 1 : i32
    %dma_wait3A_379 = arith.constant 0 : i32
    %dma_wait3A_380 = arith.constant 0 : i32
    %dma_wait3A_381 = tpu.memref_slice %arg4[%dma_wait3A_377, %dma_wait3A_379, %dma_wait3A_380] : memref<2x32x1024xf32, #tpu.memory_space<vmem>> -> memref<1x32x1024xf32, #tpu.memory_space<vmem>>
    %dma_wait3A_382 = tpu.memref_squeeze %dma_wait3A_381 : memref<1x32x1024xf32, #tpu.memory_space<vmem>> -> memref<32x1024xf32, #tpu.memory_space<vmem>>
    %dma_wait3A_383 = arith.constant 0 : i32
    %dma_wait3A_384 = tpu.memref_slice %arg2[%add3A_292, %dma_wait3A_383] : memref<16384x1024xf32, #tpu.memory_space<hbm>> -> memref<32x1024xf32, #tpu.memory_space<hbm>>
    %dma_wait3A_385 = tpu.memref_slice %arg5[%dma_wait3A_378] : memref<2x!tpu.dma_semaphore, #tpu.memory_space<semaphore_mem>> -> memref<1x!tpu.dma_semaphore, #tpu.memory_space<semaphore_mem>>
    %dma_wait3A_386 = tpu.memref_squeeze %dma_wait3A_385 : memref<1x!tpu.dma_semaphore, #tpu.memory_space<semaphore_mem>> -> memref<!tpu.dma_semaphore, #tpu.memory_space<semaphore_mem>>
    %dma_wait3A_387 = arith.constant 0 : i32
    %dma_wait3A_388 = arith.constant 0 : i32
    %dma_wait3A_389 = tpu.memref_slice %arg4[%dma_wait3A_377, %dma_wait3A_387, %dma_wait3A_388] : memref<2x32x1024xf32, #tpu.memory_space<vmem>> -> memref<1x32x1024xf32, #tpu.memory_space<vmem>>
    %dma_wait3A_390 = tpu.memref_squeeze %dma_wait3A_389 : memref<1x32x1024xf32, #tpu.memory_space<vmem>> -> memref<32x1024xf32, #tpu.memory_space<vmem>>
    %dma_wait3A_391 = arith.constant 0 : i32
    %dma_wait3A_392 = tpu.memref_slice %arg2[%add3A_292, %dma_wait3A_391] : memref<16384x1024xf32, #tpu.memory_space<hbm>> -> memref<32x1024xf32, #tpu.memory_space<hbm>>
    tpu.wait_dma2 semaphore(%dma_wait3A_386 : memref<!tpu.dma_semaphore, #tpu.memory_space<semaphore_mem>>) src(%dma_wait3A_392 : memref<32x1024xf32, #tpu.memory_space<hbm>>) dst(%dma_wait3A_390 : memref<32x1024xf32, #tpu.memory_space<vmem>>)
    %add3A_393 = arith.constant 160 : i32
    %add3A_394 = arith.addi %mul3A_2, %add3A_393 : i32
    %dma_start3A_395 = arith.constant 1 : i32
    %dma_start3A_396 = arith.constant 1 : i32
    %dma_start3A_397 = arith.constant 0 : i32
    %dma_start3A_398 = arith.constant 0 : i32
    %dma_start3A_399 = tpu.memref_slice %arg4[%dma_start3A_395, %dma_start3A_397, %dma_start3A_398] : memref<2x32x1024xf32, #tpu.memory_space<vmem>> -> memref<1x32x1024xf32, #tpu.memory_space<vmem>>
    %dma_start3A_400 = tpu.memref_squeeze %dma_start3A_399 : memref<1x32x1024xf32, #tpu.memory_space<vmem>> -> memref<32x1024xf32, #tpu.memory_space<vmem>>
    %dma_start3A_401 = arith.constant 0 : i32
    %dma_start3A_402 = tpu.memref_slice %arg3[%add3A_394, %dma_start3A_401] : memref<16384x1024xf32, #tpu.memory_space<hbm>> -> memref<32x1024xf32, #tpu.memory_space<hbm>>
    %dma_start3A_403 = tpu.memref_slice %arg6[%dma_start3A_396] : memref<2x!tpu.dma_semaphore, #tpu.memory_space<semaphore_mem>> -> memref<1x!tpu.dma_semaphore, #tpu.memory_space<semaphore_mem>>
    %dma_start3A_404 = tpu.memref_squeeze %dma_start3A_403 : memref<1x!tpu.dma_semaphore, #tpu.memory_space<semaphore_mem>> -> memref<!tpu.dma_semaphore, #tpu.memory_space<semaphore_mem>>
    %dma_start3A_405 = arith.constant 0 : i32
    %dma_start3A_406 = tpu.memref_slice %arg3[%add3A_394, %dma_start3A_405] : memref<16384x1024xf32, #tpu.memory_space<hbm>> -> memref<32x1024xf32, #tpu.memory_space<hbm>>
    %dma_start3A_407 = arith.constant 0 : i32
    %dma_start3A_408 = arith.constant 0 : i32
    %dma_start3A_409 = tpu.memref_slice %arg4[%dma_start3A_395, %dma_start3A_407, %dma_start3A_408] : memref<2x32x1024xf32, #tpu.memory_space<vmem>> -> memref<1x32x1024xf32, #tpu.memory_space<vmem>>
    %dma_start3A_410 = tpu.memref_squeeze %dma_start3A_409 : memref<1x32x1024xf32, #tpu.memory_space<vmem>> -> memref<32x1024xf32, #tpu.memory_space<vmem>>
    tpu.enqueue_dma source(%dma_start3A_410 : memref<32x1024xf32, #tpu.memory_space<vmem>>) target(%dma_start3A_406 : memref<32x1024xf32, #tpu.memory_space<hbm>>) target_semaphore(%dma_start3A_404 : memref<!tpu.dma_semaphore, #tpu.memory_space<semaphore_mem>>)
    %dma_wait3A_411 = arith.constant 1 : i32
    %dma_wait3A_412 = arith.constant 1 : i32
    %dma_wait3A_413 = arith.constant 0 : i32
    %dma_wait3A_414 = arith.constant 0 : i32
    %dma_wait3A_415 = tpu.memref_slice %arg4[%dma_wait3A_411, %dma_wait3A_413, %dma_wait3A_414] : memref<2x32x1024xf32, #tpu.memory_space<vmem>> -> memref<1x32x1024xf32, #tpu.memory_space<vmem>>
    %dma_wait3A_416 = tpu.memref_squeeze %dma_wait3A_415 : memref<1x32x1024xf32, #tpu.memory_space<vmem>> -> memref<32x1024xf32, #tpu.memory_space<vmem>>
    %dma_wait3A_417 = arith.constant 0 : i32
    %dma_wait3A_418 = tpu.memref_slice %arg3[%add3A_394, %dma_wait3A_417] : memref<16384x1024xf32, #tpu.memory_space<hbm>> -> memref<32x1024xf32, #tpu.memory_space<hbm>>
    %dma_wait3A_419 = tpu.memref_slice %arg6[%dma_wait3A_412] : memref<2x!tpu.dma_semaphore, #tpu.memory_space<semaphore_mem>> -> memref<1x!tpu.dma_semaphore, #tpu.memory_space<semaphore_mem>>
    %dma_wait3A_420 = tpu.memref_squeeze %dma_wait3A_419 : memref<1x!tpu.dma_semaphore, #tpu.memory_space<semaphore_mem>> -> memref<!tpu.dma_semaphore, #tpu.memory_space<semaphore_mem>>
    %dma_wait3A_421 = arith.constant 0 : i32
    %dma_wait3A_422 = tpu.memref_slice %arg3[%add3A_394, %dma_wait3A_421] : memref<16384x1024xf32, #tpu.memory_space<hbm>> -> memref<32x1024xf32, #tpu.memory_space<hbm>>
    %dma_wait3A_423 = arith.constant 0 : i32
    %dma_wait3A_424 = arith.constant 0 : i32
    %dma_wait3A_425 = tpu.memref_slice %arg4[%dma_wait3A_411, %dma_wait3A_423, %dma_wait3A_424] : memref<2x32x1024xf32, #tpu.memory_space<vmem>> -> memref<1x32x1024xf32, #tpu.memory_space<vmem>>
    %dma_wait3A_426 = tpu.memref_squeeze %dma_wait3A_425 : memref<1x32x1024xf32, #tpu.memory_space<vmem>> -> memref<32x1024xf32, #tpu.memory_space<vmem>>
    tpu.wait_dma2 semaphore(%dma_wait3A_420 : memref<!tpu.dma_semaphore, #tpu.memory_space<semaphore_mem>>) src(%dma_wait3A_426 : memref<32x1024xf32, #tpu.memory_space<vmem>>) dst(%dma_wait3A_422 : memref<32x1024xf32, #tpu.memory_space<hbm>>)
    %add3A_427 = arith.constant 224 : i32
    %add3A_428 = arith.addi %mul3A_2, %add3A_427 : i32
    %dma_start3A_429 = arith.constant 1 : i32
    %dma_start3A_430 = arith.constant 1 : i32
    %dma_start3A_431 = arith.constant 0 : i32
    %dma_start3A_432 = arith.constant 0 : i32
    %dma_start3A_433 = tpu.memref_slice %arg4[%dma_start3A_429, %dma_start3A_431, %dma_start3A_432] : memref<2x32x1024xf32, #tpu.memory_space<vmem>> -> memref<1x32x1024xf32, #tpu.memory_space<vmem>>
    %dma_start3A_434 = tpu.memref_squeeze %dma_start3A_433 : memref<1x32x1024xf32, #tpu.memory_space<vmem>> -> memref<32x1024xf32, #tpu.memory_space<vmem>>
    %dma_start3A_435 = arith.constant 0 : i32
    %dma_start3A_436 = tpu.memref_slice %arg2[%add3A_428, %dma_start3A_435] : memref<16384x1024xf32, #tpu.memory_space<hbm>> -> memref<32x1024xf32, #tpu.memory_space<hbm>>
    %dma_start3A_437 = tpu.memref_slice %arg5[%dma_start3A_430] : memref<2x!tpu.dma_semaphore, #tpu.memory_space<semaphore_mem>> -> memref<1x!tpu.dma_semaphore, #tpu.memory_space<semaphore_mem>>
    %dma_start3A_438 = tpu.memref_squeeze %dma_start3A_437 : memref<1x!tpu.dma_semaphore, #tpu.memory_space<semaphore_mem>> -> memref<!tpu.dma_semaphore, #tpu.memory_space<semaphore_mem>>
    %dma_start3A_439 = arith.constant 0 : i32
    %dma_start3A_440 = arith.constant 0 : i32
    %dma_start3A_441 = tpu.memref_slice %arg4[%dma_start3A_429, %dma_start3A_439, %dma_start3A_440] : memref<2x32x1024xf32, #tpu.memory_space<vmem>> -> memref<1x32x1024xf32, #tpu.memory_space<vmem>>
    %dma_start3A_442 = tpu.memref_squeeze %dma_start3A_441 : memref<1x32x1024xf32, #tpu.memory_space<vmem>> -> memref<32x1024xf32, #tpu.memory_space<vmem>>
    %dma_start3A_443 = arith.constant 0 : i32
    %dma_start3A_444 = tpu.memref_slice %arg2[%add3A_428, %dma_start3A_443] : memref<16384x1024xf32, #tpu.memory_space<hbm>> -> memref<32x1024xf32, #tpu.memory_space<hbm>>
    tpu.enqueue_dma source(%dma_start3A_444 : memref<32x1024xf32, #tpu.memory_space<hbm>>) target(%dma_start3A_442 : memref<32x1024xf32, #tpu.memory_space<vmem>>) target_semaphore(%dma_start3A_438 : memref<!tpu.dma_semaphore, #tpu.memory_space<semaphore_mem>>)
    %dma_wait3A_445 = arith.constant 0 : i32
    %dma_wait3A_446 = arith.constant 0 : i32
    %dma_wait3A_447 = arith.constant 0 : i32
    %dma_wait3A_448 = arith.constant 0 : i32
    %dma_wait3A_449 = tpu.memref_slice %arg4[%dma_wait3A_445, %dma_wait3A_447, %dma_wait3A_448] : memref<2x32x1024xf32, #tpu.memory_space<vmem>> -> memref<1x32x1024xf32, #tpu.memory_space<vmem>>
    %dma_wait3A_450 = tpu.memref_squeeze %dma_wait3A_449 : memref<1x32x1024xf32, #tpu.memory_space<vmem>> -> memref<32x1024xf32, #tpu.memory_space<vmem>>
    %dma_wait3A_451 = arith.constant 0 : i32
    %dma_wait3A_452 = tpu.memref_slice %arg2[%add3A_360, %dma_wait3A_451] : memref<16384x1024xf32, #tpu.memory_space<hbm>> -> memref<32x1024xf32, #tpu.memory_space<hbm>>
    %dma_wait3A_453 = tpu.memref_slice %arg5[%dma_wait3A_446] : memref<2x!tpu.dma_semaphore, #tpu.memory_space<semaphore_mem>> -> memref<1x!tpu.dma_semaphore, #tpu.memory_space<semaphore_mem>>
    %dma_wait3A_454 = tpu.memref_squeeze %dma_wait3A_453 : memref<1x!tpu.dma_semaphore, #tpu.memory_space<semaphore_mem>> -> memref<!tpu.dma_semaphore, #tpu.memory_space<semaphore_mem>>
    %dma_wait3A_455 = arith.constant 0 : i32
    %dma_wait3A_456 = arith.constant 0 : i32
    %dma_wait3A_457 = tpu.memref_slice %arg4[%dma_wait3A_445, %dma_wait3A_455, %dma_wait3A_456] : memref<2x32x1024xf32, #tpu.memory_space<vmem>> -> memref<1x32x1024xf32, #tpu.memory_space<vmem>>
    %dma_wait3A_458 = tpu.memref_squeeze %dma_wait3A_457 : memref<1x32x1024xf32, #tpu.memory_space<vmem>> -> memref<32x1024xf32, #tpu.memory_space<vmem>>
    %dma_wait3A_459 = arith.constant 0 : i32
    %dma_wait3A_460 = tpu.memref_slice %arg2[%add3A_360, %dma_wait3A_459] : memref<16384x1024xf32, #tpu.memory_space<hbm>> -> memref<32x1024xf32, #tpu.memory_space<hbm>>
    tpu.wait_dma2 semaphore(%dma_wait3A_454 : memref<!tpu.dma_semaphore, #tpu.memory_space<semaphore_mem>>) src(%dma_wait3A_460 : memref<32x1024xf32, #tpu.memory_space<hbm>>) dst(%dma_wait3A_458 : memref<32x1024xf32, #tpu.memory_space<vmem>>)
    %add3A_461 = arith.constant 192 : i32
    %add3A_462 = arith.addi %mul3A_2, %add3A_461 : i32
    %dma_start3A_463 = arith.constant 0 : i32
    %dma_start3A_464 = arith.constant 0 : i32
    %dma_start3A_465 = arith.constant 0 : i32
    %dma_start3A_466 = arith.constant 0 : i32
    %dma_start3A_467 = tpu.memref_slice %arg4[%dma_start3A_463, %dma_start3A_465, %dma_start3A_466] : memref<2x32x1024xf32, #tpu.memory_space<vmem>> -> memref<1x32x1024xf32, #tpu.memory_space<vmem>>
    %dma_start3A_468 = tpu.memref_squeeze %dma_start3A_467 : memref<1x32x1024xf32, #tpu.memory_space<vmem>> -> memref<32x1024xf32, #tpu.memory_space<vmem>>
    %dma_start3A_469 = arith.constant 0 : i32
    %dma_start3A_470 = tpu.memref_slice %arg3[%add3A_462, %dma_start3A_469] : memref<16384x1024xf32, #tpu.memory_space<hbm>> -> memref<32x1024xf32, #tpu.memory_space<hbm>>
    %dma_start3A_471 = tpu.memref_slice %arg6[%dma_start3A_464] : memref<2x!tpu.dma_semaphore, #tpu.memory_space<semaphore_mem>> -> memref<1x!tpu.dma_semaphore, #tpu.memory_space<semaphore_mem>>
    %dma_start3A_472 = tpu.memref_squeeze %dma_start3A_471 : memref<1x!tpu.dma_semaphore, #tpu.memory_space<semaphore_mem>> -> memref<!tpu.dma_semaphore, #tpu.memory_space<semaphore_mem>>
    %dma_start3A_473 = arith.constant 0 : i32
    %dma_start3A_474 = tpu.memref_slice %arg3[%add3A_462, %dma_start3A_473] : memref<16384x1024xf32, #tpu.memory_space<hbm>> -> memref<32x1024xf32, #tpu.memory_space<hbm>>
    %dma_start3A_475 = arith.constant 0 : i32
    %dma_start3A_476 = arith.constant 0 : i32
    %dma_start3A_477 = tpu.memref_slice %arg4[%dma_start3A_463, %dma_start3A_475, %dma_start3A_476] : memref<2x32x1024xf32, #tpu.memory_space<vmem>> -> memref<1x32x1024xf32, #tpu.memory_space<vmem>>
    %dma_start3A_478 = tpu.memref_squeeze %dma_start3A_477 : memref<1x32x1024xf32, #tpu.memory_space<vmem>> -> memref<32x1024xf32, #tpu.memory_space<vmem>>
    tpu.enqueue_dma source(%dma_start3A_478 : memref<32x1024xf32, #tpu.memory_space<vmem>>) target(%dma_start3A_474 : memref<32x1024xf32, #tpu.memory_space<hbm>>) target_semaphore(%dma_start3A_472 : memref<!tpu.dma_semaphore, #tpu.memory_space<semaphore_mem>>)
    %dma_wait3A_479 = arith.constant 0 : i32
    %dma_wait3A_480 = arith.constant 0 : i32
    %dma_wait3A_481 = arith.constant 0 : i32
    %dma_wait3A_482 = arith.constant 0 : i32
    %dma_wait3A_483 = tpu.memref_slice %arg4[%dma_wait3A_479, %dma_wait3A_481, %dma_wait3A_482] : memref<2x32x1024xf32, #tpu.memory_space<vmem>> -> memref<1x32x1024xf32, #tpu.memory_space<vmem>>
    %dma_wait3A_484 = tpu.memref_squeeze %dma_wait3A_483 : memref<1x32x1024xf32, #tpu.memory_space<vmem>> -> memref<32x1024xf32, #tpu.memory_space<vmem>>
    %dma_wait3A_485 = arith.constant 0 : i32
    %dma_wait3A_486 = tpu.memref_slice %arg3[%add3A_462, %dma_wait3A_485] : memref<16384x1024xf32, #tpu.memory_space<hbm>> -> memref<32x1024xf32, #tpu.memory_space<hbm>>
    %dma_wait3A_487 = tpu.memref_slice %arg6[%dma_wait3A_480] : memref<2x!tpu.dma_semaphore, #tpu.memory_space<semaphore_mem>> -> memref<1x!tpu.dma_semaphore, #tpu.memory_space<semaphore_mem>>
    %dma_wait3A_488 = tpu.memref_squeeze %dma_wait3A_487 : memref<1x!tpu.dma_semaphore, #tpu.memory_space<semaphore_mem>> -> memref<!tpu.dma_semaphore, #tpu.memory_space<semaphore_mem>>
    %dma_wait3A_489 = arith.constant 0 : i32
    %dma_wait3A_490 = tpu.memref_slice %arg3[%add3A_462, %dma_wait3A_489] : memref<16384x1024xf32, #tpu.memory_space<hbm>> -> memref<32x1024xf32, #tpu.memory_space<hbm>>
    %dma_wait3A_491 = arith.constant 0 : i32
    %dma_wait3A_492 = arith.constant 0 : i32
    %dma_wait3A_493 = tpu.memref_slice %arg4[%dma_wait3A_479, %dma_wait3A_491, %dma_wait3A_492] : memref<2x32x1024xf32, #tpu.memory_space<vmem>> -> memref<1x32x1024xf32, #tpu.memory_space<vmem>>
    %dma_wait3A_494 = tpu.memref_squeeze %dma_wait3A_493 : memref<1x32x1024xf32, #tpu.memory_space<vmem>> -> memref<32x1024xf32, #tpu.memory_space<vmem>>
    tpu.wait_dma2 semaphore(%dma_wait3A_488 : memref<!tpu.dma_semaphore, #tpu.memory_space<semaphore_mem>>) src(%dma_wait3A_494 : memref<32x1024xf32, #tpu.memory_space<vmem>>) dst(%dma_wait3A_490 : memref<32x1024xf32, #tpu.memory_space<hbm>>)
    %add3A_495 = arith.constant 256 : i32
    %add3A_496 = arith.addi %mul3A_2, %add3A_495 : i32
    %dma_start3A_497 = arith.constant 0 : i32
    %dma_start3A_498 = arith.constant 0 : i32
    %dma_start3A_499 = arith.constant 0 : i32
    %dma_start3A_500 = arith.constant 0 : i32
    %dma_start3A_501 = tpu.memref_slice %arg4[%dma_start3A_497, %dma_start3A_499, %dma_start3A_500] : memref<2x32x1024xf32, #tpu.memory_space<vmem>> -> memref<1x32x1024xf32, #tpu.memory_space<vmem>>
    %dma_start3A_502 = tpu.memref_squeeze %dma_start3A_501 : memref<1x32x1024xf32, #tpu.memory_space<vmem>> -> memref<32x1024xf32, #tpu.memory_space<vmem>>
    %dma_start3A_503 = arith.constant 0 : i32
    %dma_start3A_504 = tpu.memref_slice %arg2[%add3A_496, %dma_start3A_503] : memref<16384x1024xf32, #tpu.memory_space<hbm>> -> memref<32x1024xf32, #tpu.memory_space<hbm>>
    %dma_start3A_505 = tpu.memref_slice %arg5[%dma_start3A_498] : memref<2x!tpu.dma_semaphore, #tpu.memory_space<semaphore_mem>> -> memref<1x!tpu.dma_semaphore, #tpu.memory_space<semaphore_mem>>
    %dma_start3A_506 = tpu.memref_squeeze %dma_start3A_505 : memref<1x!tpu.dma_semaphore, #tpu.memory_space<semaphore_mem>> -> memref<!tpu.dma_semaphore, #tpu.memory_space<semaphore_mem>>
    %dma_start3A_507 = arith.constant 0 : i32
    %dma_start3A_508 = arith.constant 0 : i32
    %dma_start3A_509 = tpu.memref_slice %arg4[%dma_start3A_497, %dma_start3A_507, %dma_start3A_508] : memref<2x32x1024xf32, #tpu.memory_space<vmem>> -> memref<1x32x1024xf32, #tpu.memory_space<vmem>>
    %dma_start3A_510 = tpu.memref_squeeze %dma_start3A_509 : memref<1x32x1024xf32, #tpu.memory_space<vmem>> -> memref<32x1024xf32, #tpu.memory_space<vmem>>
    %dma_start3A_511 = arith.constant 0 : i32
    %dma_start3A_512 = tpu.memref_slice %arg2[%add3A_496, %dma_start3A_511] : memref<16384x1024xf32, #tpu.memory_space<hbm>> -> memref<32x1024xf32, #tpu.memory_space<hbm>>
    tpu.enqueue_dma source(%dma_start3A_512 : memref<32x1024xf32, #tpu.memory_space<hbm>>) target(%dma_start3A_510 : memref<32x1024xf32, #tpu.memory_space<vmem>>) target_semaphore(%dma_start3A_506 : memref<!tpu.dma_semaphore, #tpu.memory_space<semaphore_mem>>)
    %dma_wait3A_513 = arith.constant 1 : i32
    %dma_wait3A_514 = arith.constant 1 : i32
    %dma_wait3A_515 = arith.constant 0 : i32
    %dma_wait3A_516 = arith.constant 0 : i32
    %dma_wait3A_517 = tpu.memref_slice %arg4[%dma_wait3A_513, %dma_wait3A_515, %dma_wait3A_516] : memref<2x32x1024xf32, #tpu.memory_space<vmem>> -> memref<1x32x1024xf32, #tpu.memory_space<vmem>>
    %dma_wait3A_518 = tpu.memref_squeeze %dma_wait3A_517 : memref<1x32x1024xf32, #tpu.memory_space<vmem>> -> memref<32x1024xf32, #tpu.memory_space<vmem>>
    %dma_wait3A_519 = arith.constant 0 : i32
    %dma_wait3A_520 = tpu.memref_slice %arg2[%add3A_428, %dma_wait3A_519] : memref<16384x1024xf32, #tpu.memory_space<hbm>> -> memref<32x1024xf32, #tpu.memory_space<hbm>>
    %dma_wait3A_521 = tpu.memref_slice %arg5[%dma_wait3A_514] : memref<2x!tpu.dma_semaphore, #tpu.memory_space<semaphore_mem>> -> memref<1x!tpu.dma_semaphore, #tpu.memory_space<semaphore_mem>>
    %dma_wait3A_522 = tpu.memref_squeeze %dma_wait3A_521 : memref<1x!tpu.dma_semaphore, #tpu.memory_space<semaphore_mem>> -> memref<!tpu.dma_semaphore, #tpu.memory_space<semaphore_mem>>
    %dma_wait3A_523 = arith.constant 0 : i32
    %dma_wait3A_524 = arith.constant 0 : i32
    %dma_wait3A_525 = tpu.memref_slice %arg4[%dma_wait3A_513, %dma_wait3A_523, %dma_wait3A_524] : memref<2x32x1024xf32, #tpu.memory_space<vmem>> -> memref<1x32x1024xf32, #tpu.memory_space<vmem>>
    %dma_wait3A_526 = tpu.memref_squeeze %dma_wait3A_525 : memref<1x32x1024xf32, #tpu.memory_space<vmem>> -> memref<32x1024xf32, #tpu.memory_space<vmem>>
    %dma_wait3A_527 = arith.constant 0 : i32
    %dma_wait3A_528 = tpu.memref_slice %arg2[%add3A_428, %dma_wait3A_527] : memref<16384x1024xf32, #tpu.memory_space<hbm>> -> memref<32x1024xf32, #tpu.memory_space<hbm>>
    tpu.wait_dma2 semaphore(%dma_wait3A_522 : memref<!tpu.dma_semaphore, #tpu.memory_space<semaphore_mem>>) src(%dma_wait3A_528 : memref<32x1024xf32, #tpu.memory_space<hbm>>) dst(%dma_wait3A_526 : memref<32x1024xf32, #tpu.memory_space<vmem>>)
    %add3A_529 = arith.constant 224 : i32
    %add3A_530 = arith.addi %mul3A_2, %add3A_529 : i32
    %dma_start3A_531 = arith.constant 1 : i32
    %dma_start3A_532 = arith.constant 1 : i32
    %dma_start3A_533 = arith.constant 0 : i32
    %dma_start3A_534 = arith.constant 0 : i32
    %dma_start3A_535 = tpu.memref_slice %arg4[%dma_start3A_531, %dma_start3A_533, %dma_start3A_534] : memref<2x32x1024xf32, #tpu.memory_space<vmem>> -> memref<1x32x1024xf32, #tpu.memory_space<vmem>>
    %dma_start3A_536 = tpu.memref_squeeze %dma_start3A_535 : memref<1x32x1024xf32, #tpu.memory_space<vmem>> -> memref<32x1024xf32, #tpu.memory_space<vmem>>
    %dma_start3A_537 = arith.constant 0 : i32
    %dma_start3A_538 = tpu.memref_slice %arg3[%add3A_530, %dma_start3A_537] : memref<16384x1024xf32, #tpu.memory_space<hbm>> -> memref<32x1024xf32, #tpu.memory_space<hbm>>
    %dma_start3A_539 = tpu.memref_slice %arg6[%dma_start3A_532] : memref<2x!tpu.dma_semaphore, #tpu.memory_space<semaphore_mem>> -> memref<1x!tpu.dma_semaphore, #tpu.memory_space<semaphore_mem>>
    %dma_start3A_540 = tpu.memref_squeeze %dma_start3A_539 : memref<1x!tpu.dma_semaphore, #tpu.memory_space<semaphore_mem>> -> memref<!tpu.dma_semaphore, #tpu.memory_space<semaphore_mem>>
    %dma_start3A_541 = arith.constant 0 : i32
    %dma_start3A_542 = tpu.memref_slice %arg3[%add3A_530, %dma_start3A_541] : memref<16384x1024xf32, #tpu.memory_space<hbm>> -> memref<32x1024xf32, #tpu.memory_space<hbm>>
    %dma_start3A_543 = arith.constant 0 : i32
    %dma_start3A_544 = arith.constant 0 : i32
    %dma_start3A_545 = tpu.memref_slice %arg4[%dma_start3A_531, %dma_start3A_543, %dma_start3A_544] : memref<2x32x1024xf32, #tpu.memory_space<vmem>> -> memref<1x32x1024xf32, #tpu.memory_space<vmem>>
    %dma_start3A_546 = tpu.memref_squeeze %dma_start3A_545 : memref<1x32x1024xf32, #tpu.memory_space<vmem>> -> memref<32x1024xf32, #tpu.memory_space<vmem>>
    tpu.enqueue_dma source(%dma_start3A_546 : memref<32x1024xf32, #tpu.memory_space<vmem>>) target(%dma_start3A_542 : memref<32x1024xf32, #tpu.memory_space<hbm>>) target_semaphore(%dma_start3A_540 : memref<!tpu.dma_semaphore, #tpu.memory_space<semaphore_mem>>)
    %dma_wait3A_547 = arith.constant 1 : i32
    %dma_wait3A_548 = arith.constant 1 : i32
    %dma_wait3A_549 = arith.constant 0 : i32
    %dma_wait3A_550 = arith.constant 0 : i32
    %dma_wait3A_551 = tpu.memref_slice %arg4[%dma_wait3A_547, %dma_wait3A_549, %dma_wait3A_550] : memref<2x32x1024xf32, #tpu.memory_space<vmem>> -> memref<1x32x1024xf32, #tpu.memory_space<vmem>>
    %dma_wait3A_552 = tpu.memref_squeeze %dma_wait3A_551 : memref<1x32x1024xf32, #tpu.memory_space<vmem>> -> memref<32x1024xf32, #tpu.memory_space<vmem>>
    %dma_wait3A_553 = arith.constant 0 : i32
    %dma_wait3A_554 = tpu.memref_slice %arg3[%add3A_530, %dma_wait3A_553] : memref<16384x1024xf32, #tpu.memory_space<hbm>> -> memref<32x1024xf32, #tpu.memory_space<hbm>>
    %dma_wait3A_555 = tpu.memref_slice %arg6[%dma_wait3A_548] : memref<2x!tpu.dma_semaphore, #tpu.memory_space<semaphore_mem>> -> memref<1x!tpu.dma_semaphore, #tpu.memory_space<semaphore_mem>>
    %dma_wait3A_556 = tpu.memref_squeeze %dma_wait3A_555 : memref<1x!tpu.dma_semaphore, #tpu.memory_space<semaphore_mem>> -> memref<!tpu.dma_semaphore, #tpu.memory_space<semaphore_mem>>
    %dma_wait3A_557 = arith.constant 0 : i32
    %dma_wait3A_558 = tpu.memref_slice %arg3[%add3A_530, %dma_wait3A_557] : memref<16384x1024xf32, #tpu.memory_space<hbm>> -> memref<32x1024xf32, #tpu.memory_space<hbm>>
    %dma_wait3A_559 = arith.constant 0 : i32
    %dma_wait3A_560 = arith.constant 0 : i32
    %dma_wait3A_561 = tpu.memref_slice %arg4[%dma_wait3A_547, %dma_wait3A_559, %dma_wait3A_560] : memref<2x32x1024xf32, #tpu.memory_space<vmem>> -> memref<1x32x1024xf32, #tpu.memory_space<vmem>>
    %dma_wait3A_562 = tpu.memref_squeeze %dma_wait3A_561 : memref<1x32x1024xf32, #tpu.memory_space<vmem>> -> memref<32x1024xf32, #tpu.memory_space<vmem>>
    tpu.wait_dma2 semaphore(%dma_wait3A_556 : memref<!tpu.dma_semaphore, #tpu.memory_space<semaphore_mem>>) src(%dma_wait3A_562 : memref<32x1024xf32, #tpu.memory_space<vmem>>) dst(%dma_wait3A_558 : memref<32x1024xf32, #tpu.memory_space<hbm>>)
    %add3A_563 = arith.constant 288 : i32
    %add3A_564 = arith.addi %mul3A_2, %add3A_563 : i32
    %dma_start3A_565 = arith.constant 1 : i32
    %dma_start3A_566 = arith.constant 1 : i32
    %dma_start3A_567 = arith.constant 0 : i32
    %dma_start3A_568 = arith.constant 0 : i32
    %dma_start3A_569 = tpu.memref_slice %arg4[%dma_start3A_565, %dma_start3A_567, %dma_start3A_568] : memref<2x32x1024xf32, #tpu.memory_space<vmem>> -> memref<1x32x1024xf32, #tpu.memory_space<vmem>>
    %dma_start3A_570 = tpu.memref_squeeze %dma_start3A_569 : memref<1x32x1024xf32, #tpu.memory_space<vmem>> -> memref<32x1024xf32, #tpu.memory_space<vmem>>
    %dma_start3A_571 = arith.constant 0 : i32
    %dma_start3A_572 = tpu.memref_slice %arg2[%add3A_564, %dma_start3A_571] : memref<16384x1024xf32, #tpu.memory_space<hbm>> -> memref<32x1024xf32, #tpu.memory_space<hbm>>
    %dma_start3A_573 = tpu.memref_slice %arg5[%dma_start3A_566] : memref<2x!tpu.dma_semaphore, #tpu.memory_space<semaphore_mem>> -> memref<1x!tpu.dma_semaphore, #tpu.memory_space<semaphore_mem>>
    %dma_start3A_574 = tpu.memref_squeeze %dma_start3A_573 : memref<1x!tpu.dma_semaphore, #tpu.memory_space<semaphore_mem>> -> memref<!tpu.dma_semaphore, #tpu.memory_space<semaphore_mem>>
    %dma_start3A_575 = arith.constant 0 : i32
    %dma_start3A_576 = arith.constant 0 : i32
    %dma_start3A_577 = tpu.memref_slice %arg4[%dma_start3A_565, %dma_start3A_575, %dma_start3A_576] : memref<2x32x1024xf32, #tpu.memory_space<vmem>> -> memref<1x32x1024xf32, #tpu.memory_space<vmem>>
    %dma_start3A_578 = tpu.memref_squeeze %dma_start3A_577 : memref<1x32x1024xf32, #tpu.memory_space<vmem>> -> memref<32x1024xf32, #tpu.memory_space<vmem>>
    %dma_start3A_579 = arith.constant 0 : i32
    %dma_start3A_580 = tpu.memref_slice %arg2[%add3A_564, %dma_start3A_579] : memref<16384x1024xf32, #tpu.memory_space<hbm>> -> memref<32x1024xf32, #tpu.memory_space<hbm>>
    tpu.enqueue_dma source(%dma_start3A_580 : memref<32x1024xf32, #tpu.memory_space<hbm>>) target(%dma_start3A_578 : memref<32x1024xf32, #tpu.memory_space<vmem>>) target_semaphore(%dma_start3A_574 : memref<!tpu.dma_semaphore, #tpu.memory_space<semaphore_mem>>)
    %dma_wait3A_581 = arith.constant 0 : i32
    %dma_wait3A_582 = arith.constant 0 : i32
    %dma_wait3A_583 = arith.constant 0 : i32
    %dma_wait3A_584 = arith.constant 0 : i32
    %dma_wait3A_585 = tpu.memref_slice %arg4[%dma_wait3A_581, %dma_wait3A_583, %dma_wait3A_584] : memref<2x32x1024xf32, #tpu.memory_space<vmem>> -> memref<1x32x1024xf32, #tpu.memory_space<vmem>>
    %dma_wait3A_586 = tpu.memref_squeeze %dma_wait3A_585 : memref<1x32x1024xf32, #tpu.memory_space<vmem>> -> memref<32x1024xf32, #tpu.memory_space<vmem>>
    %dma_wait3A_587 = arith.constant 0 : i32
    %dma_wait3A_588 = tpu.memref_slice %arg2[%add3A_496, %dma_wait3A_587] : memref<16384x1024xf32, #tpu.memory_space<hbm>> -> memref<32x1024xf32, #tpu.memory_space<hbm>>
    %dma_wait3A_589 = tpu.memref_slice %arg5[%dma_wait3A_582] : memref<2x!tpu.dma_semaphore, #tpu.memory_space<semaphore_mem>> -> memref<1x!tpu.dma_semaphore, #tpu.memory_space<semaphore_mem>>
    %dma_wait3A_590 = tpu.memref_squeeze %dma_wait3A_589 : memref<1x!tpu.dma_semaphore, #tpu.memory_space<semaphore_mem>> -> memref<!tpu.dma_semaphore, #tpu.memory_space<semaphore_mem>>
    %dma_wait3A_591 = arith.constant 0 : i32
    %dma_wait3A_592 = arith.constant 0 : i32
    %dma_wait3A_593 = tpu.memref_slice %arg4[%dma_wait3A_581, %dma_wait3A_591, %dma_wait3A_592] : memref<2x32x1024xf32, #tpu.memory_space<vmem>> -> memref<1x32x1024xf32, #tpu.memory_space<vmem>>
    %dma_wait3A_594 = tpu.memref_squeeze %dma_wait3A_593 : memref<1x32x1024xf32, #tpu.memory_space<vmem>> -> memref<32x1024xf32, #tpu.memory_space<vmem>>
    %dma_wait3A_595 = arith.constant 0 : i32
    %dma_wait3A_596 = tpu.memref_slice %arg2[%add3A_496, %dma_wait3A_595] : memref<16384x1024xf32, #tpu.memory_space<hbm>> -> memref<32x1024xf32, #tpu.memory_space<hbm>>
    tpu.wait_dma2 semaphore(%dma_wait3A_590 : memref<!tpu.dma_semaphore, #tpu.memory_space<semaphore_mem>>) src(%dma_wait3A_596 : memref<32x1024xf32, #tpu.memory_space<hbm>>) dst(%dma_wait3A_594 : memref<32x1024xf32, #tpu.memory_space<vmem>>)
    %add3A_597 = arith.constant 256 : i32
    %add3A_598 = arith.addi %mul3A_2, %add3A_597 : i32
    %dma_start3A_599 = arith.constant 0 : i32
    %dma_start3A_600 = arith.constant 0 : i32
    %dma_start3A_601 = arith.constant 0 : i32
    %dma_start3A_602 = arith.constant 0 : i32
    %dma_start3A_603 = tpu.memref_slice %arg4[%dma_start3A_599, %dma_start3A_601, %dma_start3A_602] : memref<2x32x1024xf32, #tpu.memory_space<vmem>> -> memref<1x32x1024xf32, #tpu.memory_space<vmem>>
    %dma_start3A_604 = tpu.memref_squeeze %dma_start3A_603 : memref<1x32x1024xf32, #tpu.memory_space<vmem>> -> memref<32x1024xf32, #tpu.memory_space<vmem>>
    %dma_start3A_605 = arith.constant 0 : i32
    %dma_start3A_606 = tpu.memref_slice %arg3[%add3A_598, %dma_start3A_605] : memref<16384x1024xf32, #tpu.memory_space<hbm>> -> memref<32x1024xf32, #tpu.memory_space<hbm>>
    %dma_start3A_607 = tpu.memref_slice %arg6[%dma_start3A_600] : memref<2x!tpu.dma_semaphore, #tpu.memory_space<semaphore_mem>> -> memref<1x!tpu.dma_semaphore, #tpu.memory_space<semaphore_mem>>
    %dma_start3A_608 = tpu.memref_squeeze %dma_start3A_607 : memref<1x!tpu.dma_semaphore, #tpu.memory_space<semaphore_mem>> -> memref<!tpu.dma_semaphore, #tpu.memory_space<semaphore_mem>>
    %dma_start3A_609 = arith.constant 0 : i32
    %dma_start3A_610 = tpu.memref_slice %arg3[%add3A_598, %dma_start3A_609] : memref<16384x1024xf32, #tpu.memory_space<hbm>> -> memref<32x1024xf32, #tpu.memory_space<hbm>>
    %dma_start3A_611 = arith.constant 0 : i32
    %dma_start3A_612 = arith.constant 0 : i32
    %dma_start3A_613 = tpu.memref_slice %arg4[%dma_start3A_599, %dma_start3A_611, %dma_start3A_612] : memref<2x32x1024xf32, #tpu.memory_space<vmem>> -> memref<1x32x1024xf32, #tpu.memory_space<vmem>>
    %dma_start3A_614 = tpu.memref_squeeze %dma_start3A_613 : memref<1x32x1024xf32, #tpu.memory_space<vmem>> -> memref<32x1024xf32, #tpu.memory_space<vmem>>
    tpu.enqueue_dma source(%dma_start3A_614 : memref<32x1024xf32, #tpu.memory_space<vmem>>) target(%dma_start3A_610 : memref<32x1024xf32, #tpu.memory_space<hbm>>) target_semaphore(%dma_start3A_608 : memref<!tpu.dma_semaphore, #tpu.memory_space<semaphore_mem>>)
    %dma_wait3A_615 = arith.constant 0 : i32
    %dma_wait3A_616 = arith.constant 0 : i32
    %dma_wait3A_617 = arith.constant 0 : i32
    %dma_wait3A_618 = arith.constant 0 : i32
    %dma_wait3A_619 = tpu.memref_slice %arg4[%dma_wait3A_615, %dma_wait3A_617, %dma_wait3A_618] : memref<2x32x1024xf32, #tpu.memory_space<vmem>> -> memref<1x32x1024xf32, #tpu.memory_space<vmem>>
    %dma_wait3A_620 = tpu.memref_squeeze %dma_wait3A_619 : memref<1x32x1024xf32, #tpu.memory_space<vmem>> -> memref<32x1024xf32, #tpu.memory_space<vmem>>
    %dma_wait3A_621 = arith.constant 0 : i32
    %dma_wait3A_622 = tpu.memref_slice %arg3[%add3A_598, %dma_wait3A_621] : memref<16384x1024xf32, #tpu.memory_space<hbm>> -> memref<32x1024xf32, #tpu.memory_space<hbm>>
    %dma_wait3A_623 = tpu.memref_slice %arg6[%dma_wait3A_616] : memref<2x!tpu.dma_semaphore, #tpu.memory_space<semaphore_mem>> -> memref<1x!tpu.dma_semaphore, #tpu.memory_space<semaphore_mem>>
    %dma_wait3A_624 = tpu.memref_squeeze %dma_wait3A_623 : memref<1x!tpu.dma_semaphore, #tpu.memory_space<semaphore_mem>> -> memref<!tpu.dma_semaphore, #tpu.memory_space<semaphore_mem>>
    %dma_wait3A_625 = arith.constant 0 : i32
    %dma_wait3A_626 = tpu.memref_slice %arg3[%add3A_598, %dma_wait3A_625] : memref<16384x1024xf32, #tpu.memory_space<hbm>> -> memref<32x1024xf32, #tpu.memory_space<hbm>>
    %dma_wait3A_627 = arith.constant 0 : i32
    %dma_wait3A_628 = arith.constant 0 : i32
    %dma_wait3A_629 = tpu.memref_slice %arg4[%dma_wait3A_615, %dma_wait3A_627, %dma_wait3A_628] : memref<2x32x1024xf32, #tpu.memory_space<vmem>> -> memref<1x32x1024xf32, #tpu.memory_space<vmem>>
    %dma_wait3A_630 = tpu.memref_squeeze %dma_wait3A_629 : memref<1x32x1024xf32, #tpu.memory_space<vmem>> -> memref<32x1024xf32, #tpu.memory_space<vmem>>
    tpu.wait_dma2 semaphore(%dma_wait3A_624 : memref<!tpu.dma_semaphore, #tpu.memory_space<semaphore_mem>>) src(%dma_wait3A_630 : memref<32x1024xf32, #tpu.memory_space<vmem>>) dst(%dma_wait3A_626 : memref<32x1024xf32, #tpu.memory_space<hbm>>)
    %add3A_631 = arith.constant 320 : i32
    %add3A_632 = arith.addi %mul3A_2, %add3A_631 : i32
    %dma_start3A_633 = arith.constant 0 : i32
    %dma_start3A_634 = arith.constant 0 : i32
    %dma_start3A_635 = arith.constant 0 : i32
    %dma_start3A_636 = arith.constant 0 : i32
    %dma_start3A_637 = tpu.memref_slice %arg4[%dma_start3A_633, %dma_start3A_635, %dma_start3A_636] : memref<2x32x1024xf32, #tpu.memory_space<vmem>> -> memref<1x32x1024xf32, #tpu.memory_space<vmem>>
    %dma_start3A_638 = tpu.memref_squeeze %dma_start3A_637 : memref<1x32x1024xf32, #tpu.memory_space<vmem>> -> memref<32x1024xf32, #tpu.memory_space<vmem>>
    %dma_start3A_639 = arith.constant 0 : i32
    %dma_start3A_640 = tpu.memref_slice %arg2[%add3A_632, %dma_start3A_639] : memref<16384x1024xf32, #tpu.memory_space<hbm>> -> memref<32x1024xf32, #tpu.memory_space<hbm>>
    %dma_start3A_641 = tpu.memref_slice %arg5[%dma_start3A_634] : memref<2x!tpu.dma_semaphore, #tpu.memory_space<semaphore_mem>> -> memref<1x!tpu.dma_semaphore, #tpu.memory_space<semaphore_mem>>
    %dma_start3A_642 = tpu.memref_squeeze %dma_start3A_641 : memref<1x!tpu.dma_semaphore, #tpu.memory_space<semaphore_mem>> -> memref<!tpu.dma_semaphore, #tpu.memory_space<semaphore_mem>>
    %dma_start3A_643 = arith.constant 0 : i32
    %dma_start3A_644 = arith.constant 0 : i32
    %dma_start3A_645 = tpu.memref_slice %arg4[%dma_start3A_633, %dma_start3A_643, %dma_start3A_644] : memref<2x32x1024xf32, #tpu.memory_space<vmem>> -> memref<1x32x1024xf32, #tpu.memory_space<vmem>>
    %dma_start3A_646 = tpu.memref_squeeze %dma_start3A_645 : memref<1x32x1024xf32, #tpu.memory_space<vmem>> -> memref<32x1024xf32, #tpu.memory_space<vmem>>
    %dma_start3A_647 = arith.constant 0 : i32
    %dma_start3A_648 = tpu.memref_slice %arg2[%add3A_632, %dma_start3A_647] : memref<16384x1024xf32, #tpu.memory_space<hbm>> -> memref<32x1024xf32, #tpu.memory_space<hbm>>
    tpu.enqueue_dma source(%dma_start3A_648 : memref<32x1024xf32, #tpu.memory_space<hbm>>) target(%dma_start3A_646 : memref<32x1024xf32, #tpu.memory_space<vmem>>) target_semaphore(%dma_start3A_642 : memref<!tpu.dma_semaphore, #tpu.memory_space<semaphore_mem>>)
    %dma_wait3A_649 = arith.constant 1 : i32
    %dma_wait3A_650 = arith.constant 1 : i32
    %dma_wait3A_651 = arith.constant 0 : i32
    %dma_wait3A_652 = arith.constant 0 : i32
    %dma_wait3A_653 = tpu.memref_slice %arg4[%dma_wait3A_649, %dma_wait3A_651, %dma_wait3A_652] : memref<2x32x1024xf32, #tpu.memory_space<vmem>> -> memref<1x32x1024xf32, #tpu.memory_space<vmem>>
    %dma_wait3A_654 = tpu.memref_squeeze %dma_wait3A_653 : memref<1x32x1024xf32, #tpu.memory_space<vmem>> -> memref<32x1024xf32, #tpu.memory_space<vmem>>
    %dma_wait3A_655 = arith.constant 0 : i32
    %dma_wait3A_656 = tpu.memref_slice %arg2[%add3A_564, %dma_wait3A_655] : memref<16384x1024xf32, #tpu.memory_space<hbm>> -> memref<32x1024xf32, #tpu.memory_space<hbm>>
    %dma_wait3A_657 = tpu.memref_slice %arg5[%dma_wait3A_650] : memref<2x!tpu.dma_semaphore, #tpu.memory_space<semaphore_mem>> -> memref<1x!tpu.dma_semaphore, #tpu.memory_space<semaphore_mem>>
    %dma_wait3A_658 = tpu.memref_squeeze %dma_wait3A_657 : memref<1x!tpu.dma_semaphore, #tpu.memory_space<semaphore_mem>> -> memref<!tpu.dma_semaphore, #tpu.memory_space<semaphore_mem>>
    %dma_wait3A_659 = arith.constant 0 : i32
    %dma_wait3A_660 = arith.constant 0 : i32
    %dma_wait3A_661 = tpu.memref_slice %arg4[%dma_wait3A_649, %dma_wait3A_659, %dma_wait3A_660] : memref<2x32x1024xf32, #tpu.memory_space<vmem>> -> memref<1x32x1024xf32, #tpu.memory_space<vmem>>
    %dma_wait3A_662 = tpu.memref_squeeze %dma_wait3A_661 : memref<1x32x1024xf32, #tpu.memory_space<vmem>> -> memref<32x1024xf32, #tpu.memory_space<vmem>>
    %dma_wait3A_663 = arith.constant 0 : i32
    %dma_wait3A_664 = tpu.memref_slice %arg2[%add3A_564, %dma_wait3A_663] : memref<16384x1024xf32, #tpu.memory_space<hbm>> -> memref<32x1024xf32, #tpu.memory_space<hbm>>
    tpu.wait_dma2 semaphore(%dma_wait3A_658 : memref<!tpu.dma_semaphore, #tpu.memory_space<semaphore_mem>>) src(%dma_wait3A_664 : memref<32x1024xf32, #tpu.memory_space<hbm>>) dst(%dma_wait3A_662 : memref<32x1024xf32, #tpu.memory_space<vmem>>)
    %add3A_665 = arith.constant 288 : i32
    %add3A_666 = arith.addi %mul3A_2, %add3A_665 : i32
    %dma_start3A_667 = arith.constant 1 : i32
    %dma_start3A_668 = arith.constant 1 : i32
    %dma_start3A_669 = arith.constant 0 : i32
    %dma_start3A_670 = arith.constant 0 : i32
    %dma_start3A_671 = tpu.memref_slice %arg4[%dma_start3A_667, %dma_start3A_669, %dma_start3A_670] : memref<2x32x1024xf32, #tpu.memory_space<vmem>> -> memref<1x32x1024xf32, #tpu.memory_space<vmem>>
    %dma_start3A_672 = tpu.memref_squeeze %dma_start3A_671 : memref<1x32x1024xf32, #tpu.memory_space<vmem>> -> memref<32x1024xf32, #tpu.memory_space<vmem>>
    %dma_start3A_673 = arith.constant 0 : i32
    %dma_start3A_674 = tpu.memref_slice %arg3[%add3A_666, %dma_start3A_673] : memref<16384x1024xf32, #tpu.memory_space<hbm>> -> memref<32x1024xf32, #tpu.memory_space<hbm>>
    %dma_start3A_675 = tpu.memref_slice %arg6[%dma_start3A_668] : memref<2x!tpu.dma_semaphore, #tpu.memory_space<semaphore_mem>> -> memref<1x!tpu.dma_semaphore, #tpu.memory_space<semaphore_mem>>
    %dma_start3A_676 = tpu.memref_squeeze %dma_start3A_675 : memref<1x!tpu.dma_semaphore, #tpu.memory_space<semaphore_mem>> -> memref<!tpu.dma_semaphore, #tpu.memory_space<semaphore_mem>>
    %dma_start3A_677 = arith.constant 0 : i32
    %dma_start3A_678 = tpu.memref_slice %arg3[%add3A_666, %dma_start3A_677] : memref<16384x1024xf32, #tpu.memory_space<hbm>> -> memref<32x1024xf32, #tpu.memory_space<hbm>>
    %dma_start3A_679 = arith.constant 0 : i32
    %dma_start3A_680 = arith.constant 0 : i32
    %dma_start3A_681 = tpu.memref_slice %arg4[%dma_start3A_667, %dma_start3A_679, %dma_start3A_680] : memref<2x32x1024xf32, #tpu.memory_space<vmem>> -> memref<1x32x1024xf32, #tpu.memory_space<vmem>>
    %dma_start3A_682 = tpu.memref_squeeze %dma_start3A_681 : memref<1x32x1024xf32, #tpu.memory_space<vmem>> -> memref<32x1024xf32, #tpu.memory_space<vmem>>
    tpu.enqueue_dma source(%dma_start3A_682 : memref<32x1024xf32, #tpu.memory_space<vmem>>) target(%dma_start3A_678 : memref<32x1024xf32, #tpu.memory_space<hbm>>) target_semaphore(%dma_start3A_676 : memref<!tpu.dma_semaphore, #tpu.memory_space<semaphore_mem>>)
    %dma_wait3A_683 = arith.constant 1 : i32
    %dma_wait3A_684 = arith.constant 1 : i32
    %dma_wait3A_685 = arith.constant 0 : i32
    %dma_wait3A_686 = arith.constant 0 : i32
    %dma_wait3A_687 = tpu.memref_slice %arg4[%dma_wait3A_683, %dma_wait3A_685, %dma_wait3A_686] : memref<2x32x1024xf32, #tpu.memory_space<vmem>> -> memref<1x32x1024xf32, #tpu.memory_space<vmem>>
    %dma_wait3A_688 = tpu.memref_squeeze %dma_wait3A_687 : memref<1x32x1024xf32, #tpu.memory_space<vmem>> -> memref<32x1024xf32, #tpu.memory_space<vmem>>
    %dma_wait3A_689 = arith.constant 0 : i32
    %dma_wait3A_690 = tpu.memref_slice %arg3[%add3A_666, %dma_wait3A_689] : memref<16384x1024xf32, #tpu.memory_space<hbm>> -> memref<32x1024xf32, #tpu.memory_space<hbm>>
    %dma_wait3A_691 = tpu.memref_slice %arg6[%dma_wait3A_684] : memref<2x!tpu.dma_semaphore, #tpu.memory_space<semaphore_mem>> -> memref<1x!tpu.dma_semaphore, #tpu.memory_space<semaphore_mem>>
    %dma_wait3A_692 = tpu.memref_squeeze %dma_wait3A_691 : memref<1x!tpu.dma_semaphore, #tpu.memory_space<semaphore_mem>> -> memref<!tpu.dma_semaphore, #tpu.memory_space<semaphore_mem>>
    %dma_wait3A_693 = arith.constant 0 : i32
    %dma_wait3A_694 = tpu.memref_slice %arg3[%add3A_666, %dma_wait3A_693] : memref<16384x1024xf32, #tpu.memory_space<hbm>> -> memref<32x1024xf32, #tpu.memory_space<hbm>>
    %dma_wait3A_695 = arith.constant 0 : i32
    %dma_wait3A_696 = arith.constant 0 : i32
    %dma_wait3A_697 = tpu.memref_slice %arg4[%dma_wait3A_683, %dma_wait3A_695, %dma_wait3A_696] : memref<2x32x1024xf32, #tpu.memory_space<vmem>> -> memref<1x32x1024xf32, #tpu.memory_space<vmem>>
    %dma_wait3A_698 = tpu.memref_squeeze %dma_wait3A_697 : memref<1x32x1024xf32, #tpu.memory_space<vmem>> -> memref<32x1024xf32, #tpu.memory_space<vmem>>
    tpu.wait_dma2 semaphore(%dma_wait3A_692 : memref<!tpu.dma_semaphore, #tpu.memory_space<semaphore_mem>>) src(%dma_wait3A_698 : memref<32x1024xf32, #tpu.memory_space<vmem>>) dst(%dma_wait3A_694 : memref<32x1024xf32, #tpu.memory_space<hbm>>)
    %add3A_699 = arith.constant 352 : i32
    %add3A_700 = arith.addi %mul3A_2, %add3A_699 : i32
    %dma_start3A_701 = arith.constant 1 : i32
    %dma_start3A_702 = arith.constant 1 : i32
    %dma_start3A_703 = arith.constant 0 : i32
    %dma_start3A_704 = arith.constant 0 : i32
    %dma_start3A_705 = tpu.memref_slice %arg4[%dma_start3A_701, %dma_start3A_703, %dma_start3A_704] : memref<2x32x1024xf32, #tpu.memory_space<vmem>> -> memref<1x32x1024xf32, #tpu.memory_space<vmem>>
    %dma_start3A_706 = tpu.memref_squeeze %dma_start3A_705 : memref<1x32x1024xf32, #tpu.memory_space<vmem>> -> memref<32x1024xf32, #tpu.memory_space<vmem>>
    %dma_start3A_707 = arith.constant 0 : i32
    %dma_start3A_708 = tpu.memref_slice %arg2[%add3A_700, %dma_start3A_707] : memref<16384x1024xf32, #tpu.memory_space<hbm>> -> memref<32x1024xf32, #tpu.memory_space<hbm>>
    %dma_start3A_709 = tpu.memref_slice %arg5[%dma_start3A_702] : memref<2x!tpu.dma_semaphore, #tpu.memory_space<semaphore_mem>> -> memref<1x!tpu.dma_semaphore, #tpu.memory_space<semaphore_mem>>
    %dma_start3A_710 = tpu.memref_squeeze %dma_start3A_709 : memref<1x!tpu.dma_semaphore, #tpu.memory_space<semaphore_mem>> -> memref<!tpu.dma_semaphore, #tpu.memory_space<semaphore_mem>>
    %dma_start3A_711 = arith.constant 0 : i32
    %dma_start3A_712 = arith.constant 0 : i32
    %dma_start3A_713 = tpu.memref_slice %arg4[%dma_start3A_701, %dma_start3A_711, %dma_start3A_712] : memref<2x32x1024xf32, #tpu.memory_space<vmem>> -> memref<1x32x1024xf32, #tpu.memory_space<vmem>>
    %dma_start3A_714 = tpu.memref_squeeze %dma_start3A_713 : memref<1x32x1024xf32, #tpu.memory_space<vmem>> -> memref<32x1024xf32, #tpu.memory_space<vmem>>
    %dma_start3A_715 = arith.constant 0 : i32
    %dma_start3A_716 = tpu.memref_slice %arg2[%add3A_700, %dma_start3A_715] : memref<16384x1024xf32, #tpu.memory_space<hbm>> -> memref<32x1024xf32, #tpu.memory_space<hbm>>
    tpu.enqueue_dma source(%dma_start3A_716 : memref<32x1024xf32, #tpu.memory_space<hbm>>) target(%dma_start3A_714 : memref<32x1024xf32, #tpu.memory_space<vmem>>) target_semaphore(%dma_start3A_710 : memref<!tpu.dma_semaphore, #tpu.memory_space<semaphore_mem>>)
    %dma_wait3A_717 = arith.constant 0 : i32
    %dma_wait3A_718 = arith.constant 0 : i32
    %dma_wait3A_719 = arith.constant 0 : i32
    %dma_wait3A_720 = arith.constant 0 : i32
    %dma_wait3A_721 = tpu.memref_slice %arg4[%dma_wait3A_717, %dma_wait3A_719, %dma_wait3A_720] : memref<2x32x1024xf32, #tpu.memory_space<vmem>> -> memref<1x32x1024xf32, #tpu.memory_space<vmem>>
    %dma_wait3A_722 = tpu.memref_squeeze %dma_wait3A_721 : memref<1x32x1024xf32, #tpu.memory_space<vmem>> -> memref<32x1024xf32, #tpu.memory_space<vmem>>
    %dma_wait3A_723 = arith.constant 0 : i32
    %dma_wait3A_724 = tpu.memref_slice %arg2[%add3A_632, %dma_wait3A_723] : memref<16384x1024xf32, #tpu.memory_space<hbm>> -> memref<32x1024xf32, #tpu.memory_space<hbm>>
    %dma_wait3A_725 = tpu.memref_slice %arg5[%dma_wait3A_718] : memref<2x!tpu.dma_semaphore, #tpu.memory_space<semaphore_mem>> -> memref<1x!tpu.dma_semaphore, #tpu.memory_space<semaphore_mem>>
    %dma_wait3A_726 = tpu.memref_squeeze %dma_wait3A_725 : memref<1x!tpu.dma_semaphore, #tpu.memory_space<semaphore_mem>> -> memref<!tpu.dma_semaphore, #tpu.memory_space<semaphore_mem>>
    %dma_wait3A_727 = arith.constant 0 : i32
    %dma_wait3A_728 = arith.constant 0 : i32
    %dma_wait3A_729 = tpu.memref_slice %arg4[%dma_wait3A_717, %dma_wait3A_727, %dma_wait3A_728] : memref<2x32x1024xf32, #tpu.memory_space<vmem>> -> memref<1x32x1024xf32, #tpu.memory_space<vmem>>
    %dma_wait3A_730 = tpu.memref_squeeze %dma_wait3A_729 : memref<1x32x1024xf32, #tpu.memory_space<vmem>> -> memref<32x1024xf32, #tpu.memory_space<vmem>>
    %dma_wait3A_731 = arith.constant 0 : i32
    %dma_wait3A_732 = tpu.memref_slice %arg2[%add3A_632, %dma_wait3A_731] : memref<16384x1024xf32, #tpu.memory_space<hbm>> -> memref<32x1024xf32, #tpu.memory_space<hbm>>
    tpu.wait_dma2 semaphore(%dma_wait3A_726 : memref<!tpu.dma_semaphore, #tpu.memory_space<semaphore_mem>>) src(%dma_wait3A_732 : memref<32x1024xf32, #tpu.memory_space<hbm>>) dst(%dma_wait3A_730 : memref<32x1024xf32, #tpu.memory_space<vmem>>)
    %add3A_733 = arith.constant 320 : i32
    %add3A_734 = arith.addi %mul3A_2, %add3A_733 : i32
    %dma_start3A_735 = arith.constant 0 : i32
    %dma_start3A_736 = arith.constant 0 : i32
    %dma_start3A_737 = arith.constant 0 : i32
    %dma_start3A_738 = arith.constant 0 : i32
    %dma_start3A_739 = tpu.memref_slice %arg4[%dma_start3A_735, %dma_start3A_737, %dma_start3A_738] : memref<2x32x1024xf32, #tpu.memory_space<vmem>> -> memref<1x32x1024xf32, #tpu.memory_space<vmem>>
    %dma_start3A_740 = tpu.memref_squeeze %dma_start3A_739 : memref<1x32x1024xf32, #tpu.memory_space<vmem>> -> memref<32x1024xf32, #tpu.memory_space<vmem>>
    %dma_start3A_741 = arith.constant 0 : i32
    %dma_start3A_742 = tpu.memref_slice %arg3[%add3A_734, %dma_start3A_741] : memref<16384x1024xf32, #tpu.memory_space<hbm>> -> memref<32x1024xf32, #tpu.memory_space<hbm>>
    %dma_start3A_743 = tpu.memref_slice %arg6[%dma_start3A_736] : memref<2x!tpu.dma_semaphore, #tpu.memory_space<semaphore_mem>> -> memref<1x!tpu.dma_semaphore, #tpu.memory_space<semaphore_mem>>
    %dma_start3A_744 = tpu.memref_squeeze %dma_start3A_743 : memref<1x!tpu.dma_semaphore, #tpu.memory_space<semaphore_mem>> -> memref<!tpu.dma_semaphore, #tpu.memory_space<semaphore_mem>>
    %dma_start3A_745 = arith.constant 0 : i32
    %dma_start3A_746 = tpu.memref_slice %arg3[%add3A_734, %dma_start3A_745] : memref<16384x1024xf32, #tpu.memory_space<hbm>> -> memref<32x1024xf32, #tpu.memory_space<hbm>>
    %dma_start3A_747 = arith.constant 0 : i32
    %dma_start3A_748 = arith.constant 0 : i32
    %dma_start3A_749 = tpu.memref_slice %arg4[%dma_start3A_735, %dma_start3A_747, %dma_start3A_748] : memref<2x32x1024xf32, #tpu.memory_space<vmem>> -> memref<1x32x1024xf32, #tpu.memory_space<vmem>>
    %dma_start3A_750 = tpu.memref_squeeze %dma_start3A_749 : memref<1x32x1024xf32, #tpu.memory_space<vmem>> -> memref<32x1024xf32, #tpu.memory_space<vmem>>
    tpu.enqueue_dma source(%dma_start3A_750 : memref<32x1024xf32, #tpu.memory_space<vmem>>) target(%dma_start3A_746 : memref<32x1024xf32, #tpu.memory_space<hbm>>) target_semaphore(%dma_start3A_744 : memref<!tpu.dma_semaphore, #tpu.memory_space<semaphore_mem>>)
    %dma_wait3A_751 = arith.constant 0 : i32
    %dma_wait3A_752 = arith.constant 0 : i32
    %dma_wait3A_753 = arith.constant 0 : i32
    %dma_wait3A_754 = arith.constant 0 : i32
    %dma_wait3A_755 = tpu.memref_slice %arg4[%dma_wait3A_751, %dma_wait3A_753, %dma_wait3A_754] : memref<2x32x1024xf32, #tpu.memory_space<vmem>> -> memref<1x32x1024xf32, #tpu.memory_space<vmem>>
    %dma_wait3A_756 = tpu.memref_squeeze %dma_wait3A_755 : memref<1x32x1024xf32, #tpu.memory_space<vmem>> -> memref<32x1024xf32, #tpu.memory_space<vmem>>
    %dma_wait3A_757 = arith.constant 0 : i32
    %dma_wait3A_758 = tpu.memref_slice %arg3[%add3A_734, %dma_wait3A_757] : memref<16384x1024xf32, #tpu.memory_space<hbm>> -> memref<32x1024xf32, #tpu.memory_space<hbm>>
    %dma_wait3A_759 = tpu.memref_slice %arg6[%dma_wait3A_752] : memref<2x!tpu.dma_semaphore, #tpu.memory_space<semaphore_mem>> -> memref<1x!tpu.dma_semaphore, #tpu.memory_space<semaphore_mem>>
    %dma_wait3A_760 = tpu.memref_squeeze %dma_wait3A_759 : memref<1x!tpu.dma_semaphore, #tpu.memory_space<semaphore_mem>> -> memref<!tpu.dma_semaphore, #tpu.memory_space<semaphore_mem>>
    %dma_wait3A_761 = arith.constant 0 : i32
    %dma_wait3A_762 = tpu.memref_slice %arg3[%add3A_734, %dma_wait3A_761] : memref<16384x1024xf32, #tpu.memory_space<hbm>> -> memref<32x1024xf32, #tpu.memory_space<hbm>>
    %dma_wait3A_763 = arith.constant 0 : i32
    %dma_wait3A_764 = arith.constant 0 : i32
    %dma_wait3A_765 = tpu.memref_slice %arg4[%dma_wait3A_751, %dma_wait3A_763, %dma_wait3A_764] : memref<2x32x1024xf32, #tpu.memory_space<vmem>> -> memref<1x32x1024xf32, #tpu.memory_space<vmem>>
    %dma_wait3A_766 = tpu.memref_squeeze %dma_wait3A_765 : memref<1x32x1024xf32, #tpu.memory_space<vmem>> -> memref<32x1024xf32, #tpu.memory_space<vmem>>
    tpu.wait_dma2 semaphore(%dma_wait3A_760 : memref<!tpu.dma_semaphore, #tpu.memory_space<semaphore_mem>>) src(%dma_wait3A_766 : memref<32x1024xf32, #tpu.memory_space<vmem>>) dst(%dma_wait3A_762 : memref<32x1024xf32, #tpu.memory_space<hbm>>)
    %add3A_767 = arith.constant 384 : i32
    %add3A_768 = arith.addi %mul3A_2, %add3A_767 : i32
    %dma_start3A_769 = arith.constant 0 : i32
    %dma_start3A_770 = arith.constant 0 : i32
    %dma_start3A_771 = arith.constant 0 : i32
    %dma_start3A_772 = arith.constant 0 : i32
    %dma_start3A_773 = tpu.memref_slice %arg4[%dma_start3A_769, %dma_start3A_771, %dma_start3A_772] : memref<2x32x1024xf32, #tpu.memory_space<vmem>> -> memref<1x32x1024xf32, #tpu.memory_space<vmem>>
    %dma_start3A_774 = tpu.memref_squeeze %dma_start3A_773 : memref<1x32x1024xf32, #tpu.memory_space<vmem>> -> memref<32x1024xf32, #tpu.memory_space<vmem>>
    %dma_start3A_775 = arith.constant 0 : i32
    %dma_start3A_776 = tpu.memref_slice %arg2[%add3A_768, %dma_start3A_775] : memref<16384x1024xf32, #tpu.memory_space<hbm>> -> memref<32x1024xf32, #tpu.memory_space<hbm>>
    %dma_start3A_777 = tpu.memref_slice %arg5[%dma_start3A_770] : memref<2x!tpu.dma_semaphore, #tpu.memory_space<semaphore_mem>> -> memref<1x!tpu.dma_semaphore, #tpu.memory_space<semaphore_mem>>
    %dma_start3A_778 = tpu.memref_squeeze %dma_start3A_777 : memref<1x!tpu.dma_semaphore, #tpu.memory_space<semaphore_mem>> -> memref<!tpu.dma_semaphore, #tpu.memory_space<semaphore_mem>>
    %dma_start3A_779 = arith.constant 0 : i32
    %dma_start3A_780 = arith.constant 0 : i32
    %dma_start3A_781 = tpu.memref_slice %arg4[%dma_start3A_769, %dma_start3A_779, %dma_start3A_780] : memref<2x32x1024xf32, #tpu.memory_space<vmem>> -> memref<1x32x1024xf32, #tpu.memory_space<vmem>>
    %dma_start3A_782 = tpu.memref_squeeze %dma_start3A_781 : memref<1x32x1024xf32, #tpu.memory_space<vmem>> -> memref<32x1024xf32, #tpu.memory_space<vmem>>
    %dma_start3A_783 = arith.constant 0 : i32
    %dma_start3A_784 = tpu.memref_slice %arg2[%add3A_768, %dma_start3A_783] : memref<16384x1024xf32, #tpu.memory_space<hbm>> -> memref<32x1024xf32, #tpu.memory_space<hbm>>
    tpu.enqueue_dma source(%dma_start3A_784 : memref<32x1024xf32, #tpu.memory_space<hbm>>) target(%dma_start3A_782 : memref<32x1024xf32, #tpu.memory_space<vmem>>) target_semaphore(%dma_start3A_778 : memref<!tpu.dma_semaphore, #tpu.memory_space<semaphore_mem>>)
    %dma_wait3A_785 = arith.constant 1 : i32
    %dma_wait3A_786 = arith.constant 1 : i32
    %dma_wait3A_787 = arith.constant 0 : i32
    %dma_wait3A_788 = arith.constant 0 : i32
    %dma_wait3A_789 = tpu.memref_slice %arg4[%dma_wait3A_785, %dma_wait3A_787, %dma_wait3A_788] : memref<2x32x1024xf32, #tpu.memory_space<vmem>> -> memref<1x32x1024xf32, #tpu.memory_space<vmem>>
    %dma_wait3A_790 = tpu.memref_squeeze %dma_wait3A_789 : memref<1x32x1024xf32, #tpu.memory_space<vmem>> -> memref<32x1024xf32, #tpu.memory_space<vmem>>
    %dma_wait3A_791 = arith.constant 0 : i32
    %dma_wait3A_792 = tpu.memref_slice %arg2[%add3A_700, %dma_wait3A_791] : memref<16384x1024xf32, #tpu.memory_space<hbm>> -> memref<32x1024xf32, #tpu.memory_space<hbm>>
    %dma_wait3A_793 = tpu.memref_slice %arg5[%dma_wait3A_786] : memref<2x!tpu.dma_semaphore, #tpu.memory_space<semaphore_mem>> -> memref<1x!tpu.dma_semaphore, #tpu.memory_space<semaphore_mem>>
    %dma_wait3A_794 = tpu.memref_squeeze %dma_wait3A_793 : memref<1x!tpu.dma_semaphore, #tpu.memory_space<semaphore_mem>> -> memref<!tpu.dma_semaphore, #tpu.memory_space<semaphore_mem>>
    %dma_wait3A_795 = arith.constant 0 : i32
    %dma_wait3A_796 = arith.constant 0 : i32
    %dma_wait3A_797 = tpu.memref_slice %arg4[%dma_wait3A_785, %dma_wait3A_795, %dma_wait3A_796] : memref<2x32x1024xf32, #tpu.memory_space<vmem>> -> memref<1x32x1024xf32, #tpu.memory_space<vmem>>
    %dma_wait3A_798 = tpu.memref_squeeze %dma_wait3A_797 : memref<1x32x1024xf32, #tpu.memory_space<vmem>> -> memref<32x1024xf32, #tpu.memory_space<vmem>>
    %dma_wait3A_799 = arith.constant 0 : i32
    %dma_wait3A_800 = tpu.memref_slice %arg2[%add3A_700, %dma_wait3A_799] : memref<16384x1024xf32, #tpu.memory_space<hbm>> -> memref<32x1024xf32, #tpu.memory_space<hbm>>
    tpu.wait_dma2 semaphore(%dma_wait3A_794 : memref<!tpu.dma_semaphore, #tpu.memory_space<semaphore_mem>>) src(%dma_wait3A_800 : memref<32x1024xf32, #tpu.memory_space<hbm>>) dst(%dma_wait3A_798 : memref<32x1024xf32, #tpu.memory_space<vmem>>)
    %add3A_801 = arith.constant 352 : i32
    %add3A_802 = arith.addi %mul3A_2, %add3A_801 : i32
    %dma_start3A_803 = arith.constant 1 : i32
    %dma_start3A_804 = arith.constant 1 : i32
    %dma_start3A_805 = arith.constant 0 : i32
    %dma_start3A_806 = arith.constant 0 : i32
    %dma_start3A_807 = tpu.memref_slice %arg4[%dma_start3A_803, %dma_start3A_805, %dma_start3A_806] : memref<2x32x1024xf32, #tpu.memory_space<vmem>> -> memref<1x32x1024xf32, #tpu.memory_space<vmem>>
    %dma_start3A_808 = tpu.memref_squeeze %dma_start3A_807 : memref<1x32x1024xf32, #tpu.memory_space<vmem>> -> memref<32x1024xf32, #tpu.memory_space<vmem>>
    %dma_start3A_809 = arith.constant 0 : i32
    %dma_start3A_810 = tpu.memref_slice %arg3[%add3A_802, %dma_start3A_809] : memref<16384x1024xf32, #tpu.memory_space<hbm>> -> memref<32x1024xf32, #tpu.memory_space<hbm>>
    %dma_start3A_811 = tpu.memref_slice %arg6[%dma_start3A_804] : memref<2x!tpu.dma_semaphore, #tpu.memory_space<semaphore_mem>> -> memref<1x!tpu.dma_semaphore, #tpu.memory_space<semaphore_mem>>
    %dma_start3A_812 = tpu.memref_squeeze %dma_start3A_811 : memref<1x!tpu.dma_semaphore, #tpu.memory_space<semaphore_mem>> -> memref<!tpu.dma_semaphore, #tpu.memory_space<semaphore_mem>>
    %dma_start3A_813 = arith.constant 0 : i32
    %dma_start3A_814 = tpu.memref_slice %arg3[%add3A_802, %dma_start3A_813] : memref<16384x1024xf32, #tpu.memory_space<hbm>> -> memref<32x1024xf32, #tpu.memory_space<hbm>>
    %dma_start3A_815 = arith.constant 0 : i32
    %dma_start3A_816 = arith.constant 0 : i32
    %dma_start3A_817 = tpu.memref_slice %arg4[%dma_start3A_803, %dma_start3A_815, %dma_start3A_816] : memref<2x32x1024xf32, #tpu.memory_space<vmem>> -> memref<1x32x1024xf32, #tpu.memory_space<vmem>>
    %dma_start3A_818 = tpu.memref_squeeze %dma_start3A_817 : memref<1x32x1024xf32, #tpu.memory_space<vmem>> -> memref<32x1024xf32, #tpu.memory_space<vmem>>
    tpu.enqueue_dma source(%dma_start3A_818 : memref<32x1024xf32, #tpu.memory_space<vmem>>) target(%dma_start3A_814 : memref<32x1024xf32, #tpu.memory_space<hbm>>) target_semaphore(%dma_start3A_812 : memref<!tpu.dma_semaphore, #tpu.memory_space<semaphore_mem>>)
    %dma_wait3A_819 = arith.constant 1 : i32
    %dma_wait3A_820 = arith.constant 1 : i32
    %dma_wait3A_821 = arith.constant 0 : i32
    %dma_wait3A_822 = arith.constant 0 : i32
    %dma_wait3A_823 = tpu.memref_slice %arg4[%dma_wait3A_819, %dma_wait3A_821, %dma_wait3A_822] : memref<2x32x1024xf32, #tpu.memory_space<vmem>> -> memref<1x32x1024xf32, #tpu.memory_space<vmem>>
    %dma_wait3A_824 = tpu.memref_squeeze %dma_wait3A_823 : memref<1x32x1024xf32, #tpu.memory_space<vmem>> -> memref<32x1024xf32, #tpu.memory_space<vmem>>
    %dma_wait3A_825 = arith.constant 0 : i32
    %dma_wait3A_826 = tpu.memref_slice %arg3[%add3A_802, %dma_wait3A_825] : memref<16384x1024xf32, #tpu.memory_space<hbm>> -> memref<32x1024xf32, #tpu.memory_space<hbm>>
    %dma_wait3A_827 = tpu.memref_slice %arg6[%dma_wait3A_820] : memref<2x!tpu.dma_semaphore, #tpu.memory_space<semaphore_mem>> -> memref<1x!tpu.dma_semaphore, #tpu.memory_space<semaphore_mem>>
    %dma_wait3A_828 = tpu.memref_squeeze %dma_wait3A_827 : memref<1x!tpu.dma_semaphore, #tpu.memory_space<semaphore_mem>> -> memref<!tpu.dma_semaphore, #tpu.memory_space<semaphore_mem>>
    %dma_wait3A_829 = arith.constant 0 : i32
    %dma_wait3A_830 = tpu.memref_slice %arg3[%add3A_802, %dma_wait3A_829] : memref<16384x1024xf32, #tpu.memory_space<hbm>> -> memref<32x1024xf32, #tpu.memory_space<hbm>>
    %dma_wait3A_831 = arith.constant 0 : i32
    %dma_wait3A_832 = arith.constant 0 : i32
    %dma_wait3A_833 = tpu.memref_slice %arg4[%dma_wait3A_819, %dma_wait3A_831, %dma_wait3A_832] : memref<2x32x1024xf32, #tpu.memory_space<vmem>> -> memref<1x32x1024xf32, #tpu.memory_space<vmem>>
    %dma_wait3A_834 = tpu.memref_squeeze %dma_wait3A_833 : memref<1x32x1024xf32, #tpu.memory_space<vmem>> -> memref<32x1024xf32, #tpu.memory_space<vmem>>
    tpu.wait_dma2 semaphore(%dma_wait3A_828 : memref<!tpu.dma_semaphore, #tpu.memory_space<semaphore_mem>>) src(%dma_wait3A_834 : memref<32x1024xf32, #tpu.memory_space<vmem>>) dst(%dma_wait3A_830 : memref<32x1024xf32, #tpu.memory_space<hbm>>)
    %add3A_835 = arith.constant 416 : i32
    %add3A_836 = arith.addi %mul3A_2, %add3A_835 : i32
    %dma_start3A_837 = arith.constant 1 : i32
    %dma_start3A_838 = arith.constant 1 : i32
    %dma_start3A_839 = arith.constant 0 : i32
    %dma_start3A_840 = arith.constant 0 : i32
    %dma_start3A_841 = tpu.memref_slice %arg4[%dma_start3A_837, %dma_start3A_839, %dma_start3A_840] : memref<2x32x1024xf32, #tpu.memory_space<vmem>> -> memref<1x32x1024xf32, #tpu.memory_space<vmem>>
    %dma_start3A_842 = tpu.memref_squeeze %dma_start3A_841 : memref<1x32x1024xf32, #tpu.memory_space<vmem>> -> memref<32x1024xf32, #tpu.memory_space<vmem>>
    %dma_start3A_843 = arith.constant 0 : i32
    %dma_start3A_844 = tpu.memref_slice %arg2[%add3A_836, %dma_start3A_843] : memref<16384x1024xf32, #tpu.memory_space<hbm>> -> memref<32x1024xf32, #tpu.memory_space<hbm>>
    %dma_start3A_845 = tpu.memref_slice %arg5[%dma_start3A_838] : memref<2x!tpu.dma_semaphore, #tpu.memory_space<semaphore_mem>> -> memref<1x!tpu.dma_semaphore, #tpu.memory_space<semaphore_mem>>
    %dma_start3A_846 = tpu.memref_squeeze %dma_start3A_845 : memref<1x!tpu.dma_semaphore, #tpu.memory_space<semaphore_mem>> -> memref<!tpu.dma_semaphore, #tpu.memory_space<semaphore_mem>>
    %dma_start3A_847 = arith.constant 0 : i32
    %dma_start3A_848 = arith.constant 0 : i32
    %dma_start3A_849 = tpu.memref_slice %arg4[%dma_start3A_837, %dma_start3A_847, %dma_start3A_848] : memref<2x32x1024xf32, #tpu.memory_space<vmem>> -> memref<1x32x1024xf32, #tpu.memory_space<vmem>>
    %dma_start3A_850 = tpu.memref_squeeze %dma_start3A_849 : memref<1x32x1024xf32, #tpu.memory_space<vmem>> -> memref<32x1024xf32, #tpu.memory_space<vmem>>
    %dma_start3A_851 = arith.constant 0 : i32
    %dma_start3A_852 = tpu.memref_slice %arg2[%add3A_836, %dma_start3A_851] : memref<16384x1024xf32, #tpu.memory_space<hbm>> -> memref<32x1024xf32, #tpu.memory_space<hbm>>
    tpu.enqueue_dma source(%dma_start3A_852 : memref<32x1024xf32, #tpu.memory_space<hbm>>) target(%dma_start3A_850 : memref<32x1024xf32, #tpu.memory_space<vmem>>) target_semaphore(%dma_start3A_846 : memref<!tpu.dma_semaphore, #tpu.memory_space<semaphore_mem>>)
    %dma_wait3A_853 = arith.constant 0 : i32
    %dma_wait3A_854 = arith.constant 0 : i32
    %dma_wait3A_855 = arith.constant 0 : i32
    %dma_wait3A_856 = arith.constant 0 : i32
    %dma_wait3A_857 = tpu.memref_slice %arg4[%dma_wait3A_853, %dma_wait3A_855, %dma_wait3A_856] : memref<2x32x1024xf32, #tpu.memory_space<vmem>> -> memref<1x32x1024xf32, #tpu.memory_space<vmem>>
    %dma_wait3A_858 = tpu.memref_squeeze %dma_wait3A_857 : memref<1x32x1024xf32, #tpu.memory_space<vmem>> -> memref<32x1024xf32, #tpu.memory_space<vmem>>
    %dma_wait3A_859 = arith.constant 0 : i32
    %dma_wait3A_860 = tpu.memref_slice %arg2[%add3A_768, %dma_wait3A_859] : memref<16384x1024xf32, #tpu.memory_space<hbm>> -> memref<32x1024xf32, #tpu.memory_space<hbm>>
    %dma_wait3A_861 = tpu.memref_slice %arg5[%dma_wait3A_854] : memref<2x!tpu.dma_semaphore, #tpu.memory_space<semaphore_mem>> -> memref<1x!tpu.dma_semaphore, #tpu.memory_space<semaphore_mem>>
    %dma_wait3A_862 = tpu.memref_squeeze %dma_wait3A_861 : memref<1x!tpu.dma_semaphore, #tpu.memory_space<semaphore_mem>> -> memref<!tpu.dma_semaphore, #tpu.memory_space<semaphore_mem>>
    %dma_wait3A_863 = arith.constant 0 : i32
    %dma_wait3A_864 = arith.constant 0 : i32
    %dma_wait3A_865 = tpu.memref_slice %arg4[%dma_wait3A_853, %dma_wait3A_863, %dma_wait3A_864] : memref<2x32x1024xf32, #tpu.memory_space<vmem>> -> memref<1x32x1024xf32, #tpu.memory_space<vmem>>
    %dma_wait3A_866 = tpu.memref_squeeze %dma_wait3A_865 : memref<1x32x1024xf32, #tpu.memory_space<vmem>> -> memref<32x1024xf32, #tpu.memory_space<vmem>>
    %dma_wait3A_867 = arith.constant 0 : i32
    %dma_wait3A_868 = tpu.memref_slice %arg2[%add3A_768, %dma_wait3A_867] : memref<16384x1024xf32, #tpu.memory_space<hbm>> -> memref<32x1024xf32, #tpu.memory_space<hbm>>
    tpu.wait_dma2 semaphore(%dma_wait3A_862 : memref<!tpu.dma_semaphore, #tpu.memory_space<semaphore_mem>>) src(%dma_wait3A_868 : memref<32x1024xf32, #tpu.memory_space<hbm>>) dst(%dma_wait3A_866 : memref<32x1024xf32, #tpu.memory_space<vmem>>)
    %add3A_869 = arith.constant 384 : i32
    %add3A_870 = arith.addi %mul3A_2, %add3A_869 : i32
    %dma_start3A_871 = arith.constant 0 : i32
    %dma_start3A_872 = arith.constant 0 : i32
    %dma_start3A_873 = arith.constant 0 : i32
    %dma_start3A_874 = arith.constant 0 : i32
    %dma_start3A_875 = tpu.memref_slice %arg4[%dma_start3A_871, %dma_start3A_873, %dma_start3A_874] : memref<2x32x1024xf32, #tpu.memory_space<vmem>> -> memref<1x32x1024xf32, #tpu.memory_space<vmem>>
    %dma_start3A_876 = tpu.memref_squeeze %dma_start3A_875 : memref<1x32x1024xf32, #tpu.memory_space<vmem>> -> memref<32x1024xf32, #tpu.memory_space<vmem>>
    %dma_start3A_877 = arith.constant 0 : i32
    %dma_start3A_878 = tpu.memref_slice %arg3[%add3A_870, %dma_start3A_877] : memref<16384x1024xf32, #tpu.memory_space<hbm>> -> memref<32x1024xf32, #tpu.memory_space<hbm>>
    %dma_start3A_879 = tpu.memref_slice %arg6[%dma_start3A_872] : memref<2x!tpu.dma_semaphore, #tpu.memory_space<semaphore_mem>> -> memref<1x!tpu.dma_semaphore, #tpu.memory_space<semaphore_mem>>
    %dma_start3A_880 = tpu.memref_squeeze %dma_start3A_879 : memref<1x!tpu.dma_semaphore, #tpu.memory_space<semaphore_mem>> -> memref<!tpu.dma_semaphore, #tpu.memory_space<semaphore_mem>>
    %dma_start3A_881 = arith.constant 0 : i32
    %dma_start3A_882 = tpu.memref_slice %arg3[%add3A_870, %dma_start3A_881] : memref<16384x1024xf32, #tpu.memory_space<hbm>> -> memref<32x1024xf32, #tpu.memory_space<hbm>>
    %dma_start3A_883 = arith.constant 0 : i32
    %dma_start3A_884 = arith.constant 0 : i32
    %dma_start3A_885 = tpu.memref_slice %arg4[%dma_start3A_871, %dma_start3A_883, %dma_start3A_884] : memref<2x32x1024xf32, #tpu.memory_space<vmem>> -> memref<1x32x1024xf32, #tpu.memory_space<vmem>>
    %dma_start3A_886 = tpu.memref_squeeze %dma_start3A_885 : memref<1x32x1024xf32, #tpu.memory_space<vmem>> -> memref<32x1024xf32, #tpu.memory_space<vmem>>
    tpu.enqueue_dma source(%dma_start3A_886 : memref<32x1024xf32, #tpu.memory_space<vmem>>) target(%dma_start3A_882 : memref<32x1024xf32, #tpu.memory_space<hbm>>) target_semaphore(%dma_start3A_880 : memref<!tpu.dma_semaphore, #tpu.memory_space<semaphore_mem>>)
    %dma_wait3A_887 = arith.constant 0 : i32
    %dma_wait3A_888 = arith.constant 0 : i32
    %dma_wait3A_889 = arith.constant 0 : i32
    %dma_wait3A_890 = arith.constant 0 : i32
    %dma_wait3A_891 = tpu.memref_slice %arg4[%dma_wait3A_887, %dma_wait3A_889, %dma_wait3A_890] : memref<2x32x1024xf32, #tpu.memory_space<vmem>> -> memref<1x32x1024xf32, #tpu.memory_space<vmem>>
    %dma_wait3A_892 = tpu.memref_squeeze %dma_wait3A_891 : memref<1x32x1024xf32, #tpu.memory_space<vmem>> -> memref<32x1024xf32, #tpu.memory_space<vmem>>
    %dma_wait3A_893 = arith.constant 0 : i32
    %dma_wait3A_894 = tpu.memref_slice %arg3[%add3A_870, %dma_wait3A_893] : memref<16384x1024xf32, #tpu.memory_space<hbm>> -> memref<32x1024xf32, #tpu.memory_space<hbm>>
    %dma_wait3A_895 = tpu.memref_slice %arg6[%dma_wait3A_888] : memref<2x!tpu.dma_semaphore, #tpu.memory_space<semaphore_mem>> -> memref<1x!tpu.dma_semaphore, #tpu.memory_space<semaphore_mem>>
    %dma_wait3A_896 = tpu.memref_squeeze %dma_wait3A_895 : memref<1x!tpu.dma_semaphore, #tpu.memory_space<semaphore_mem>> -> memref<!tpu.dma_semaphore, #tpu.memory_space<semaphore_mem>>
    %dma_wait3A_897 = arith.constant 0 : i32
    %dma_wait3A_898 = tpu.memref_slice %arg3[%add3A_870, %dma_wait3A_897] : memref<16384x1024xf32, #tpu.memory_space<hbm>> -> memref<32x1024xf32, #tpu.memory_space<hbm>>
    %dma_wait3A_899 = arith.constant 0 : i32
    %dma_wait3A_900 = arith.constant 0 : i32
    %dma_wait3A_901 = tpu.memref_slice %arg4[%dma_wait3A_887, %dma_wait3A_899, %dma_wait3A_900] : memref<2x32x1024xf32, #tpu.memory_space<vmem>> -> memref<1x32x1024xf32, #tpu.memory_space<vmem>>
    %dma_wait3A_902 = tpu.memref_squeeze %dma_wait3A_901 : memref<1x32x1024xf32, #tpu.memory_space<vmem>> -> memref<32x1024xf32, #tpu.memory_space<vmem>>
    tpu.wait_dma2 semaphore(%dma_wait3A_896 : memref<!tpu.dma_semaphore, #tpu.memory_space<semaphore_mem>>) src(%dma_wait3A_902 : memref<32x1024xf32, #tpu.memory_space<vmem>>) dst(%dma_wait3A_898 : memref<32x1024xf32, #tpu.memory_space<hbm>>)
    %add3A_903 = arith.constant 448 : i32
    %add3A_904 = arith.addi %mul3A_2, %add3A_903 : i32
    %dma_start3A_905 = arith.constant 0 : i32
    %dma_start3A_906 = arith.constant 0 : i32
    %dma_start3A_907 = arith.constant 0 : i32
    %dma_start3A_908 = arith.constant 0 : i32
    %dma_start3A_909 = tpu.memref_slice %arg4[%dma_start3A_905, %dma_start3A_907, %dma_start3A_908] : memref<2x32x1024xf32, #tpu.memory_space<vmem>> -> memref<1x32x1024xf32, #tpu.memory_space<vmem>>
    %dma_start3A_910 = tpu.memref_squeeze %dma_start3A_909 : memref<1x32x1024xf32, #tpu.memory_space<vmem>> -> memref<32x1024xf32, #tpu.memory_space<vmem>>
    %dma_start3A_911 = arith.constant 0 : i32
    %dma_start3A_912 = tpu.memref_slice %arg2[%add3A_904, %dma_start3A_911] : memref<16384x1024xf32, #tpu.memory_space<hbm>> -> memref<32x1024xf32, #tpu.memory_space<hbm>>
    %dma_start3A_913 = tpu.memref_slice %arg5[%dma_start3A_906] : memref<2x!tpu.dma_semaphore, #tpu.memory_space<semaphore_mem>> -> memref<1x!tpu.dma_semaphore, #tpu.memory_space<semaphore_mem>>
    %dma_start3A_914 = tpu.memref_squeeze %dma_start3A_913 : memref<1x!tpu.dma_semaphore, #tpu.memory_space<semaphore_mem>> -> memref<!tpu.dma_semaphore, #tpu.memory_space<semaphore_mem>>
    %dma_start3A_915 = arith.constant 0 : i32
    %dma_start3A_916 = arith.constant 0 : i32
    %dma_start3A_917 = tpu.memref_slice %arg4[%dma_start3A_905, %dma_start3A_915, %dma_start3A_916] : memref<2x32x1024xf32, #tpu.memory_space<vmem>> -> memref<1x32x1024xf32, #tpu.memory_space<vmem>>
    %dma_start3A_918 = tpu.memref_squeeze %dma_start3A_917 : memref<1x32x1024xf32, #tpu.memory_space<vmem>> -> memref<32x1024xf32, #tpu.memory_space<vmem>>
    %dma_start3A_919 = arith.constant 0 : i32
    %dma_start3A_920 = tpu.memref_slice %arg2[%add3A_904, %dma_start3A_919] : memref<16384x1024xf32, #tpu.memory_space<hbm>> -> memref<32x1024xf32, #tpu.memory_space<hbm>>
    tpu.enqueue_dma source(%dma_start3A_920 : memref<32x1024xf32, #tpu.memory_space<hbm>>) target(%dma_start3A_918 : memref<32x1024xf32, #tpu.memory_space<vmem>>) target_semaphore(%dma_start3A_914 : memref<!tpu.dma_semaphore, #tpu.memory_space<semaphore_mem>>)
    %dma_wait3A_921 = arith.constant 1 : i32
    %dma_wait3A_922 = arith.constant 1 : i32
    %dma_wait3A_923 = arith.constant 0 : i32
    %dma_wait3A_924 = arith.constant 0 : i32
    %dma_wait3A_925 = tpu.memref_slice %arg4[%dma_wait3A_921, %dma_wait3A_923, %dma_wait3A_924] : memref<2x32x1024xf32, #tpu.memory_space<vmem>> -> memref<1x32x1024xf32, #tpu.memory_space<vmem>>
    %dma_wait3A_926 = tpu.memref_squeeze %dma_wait3A_925 : memref<1x32x1024xf32, #tpu.memory_space<vmem>> -> memref<32x1024xf32, #tpu.memory_space<vmem>>
    %dma_wait3A_927 = arith.constant 0 : i32
    %dma_wait3A_928 = tpu.memref_slice %arg2[%add3A_836, %dma_wait3A_927] : memref<16384x1024xf32, #tpu.memory_space<hbm>> -> memref<32x1024xf32, #tpu.memory_space<hbm>>
    %dma_wait3A_929 = tpu.memref_slice %arg5[%dma_wait3A_922] : memref<2x!tpu.dma_semaphore, #tpu.memory_space<semaphore_mem>> -> memref<1x!tpu.dma_semaphore, #tpu.memory_space<semaphore_mem>>
    %dma_wait3A_930 = tpu.memref_squeeze %dma_wait3A_929 : memref<1x!tpu.dma_semaphore, #tpu.memory_space<semaphore_mem>> -> memref<!tpu.dma_semaphore, #tpu.memory_space<semaphore_mem>>
    %dma_wait3A_931 = arith.constant 0 : i32
    %dma_wait3A_932 = arith.constant 0 : i32
    %dma_wait3A_933 = tpu.memref_slice %arg4[%dma_wait3A_921, %dma_wait3A_931, %dma_wait3A_932] : memref<2x32x1024xf32, #tpu.memory_space<vmem>> -> memref<1x32x1024xf32, #tpu.memory_space<vmem>>
    %dma_wait3A_934 = tpu.memref_squeeze %dma_wait3A_933 : memref<1x32x1024xf32, #tpu.memory_space<vmem>> -> memref<32x1024xf32, #tpu.memory_space<vmem>>
    %dma_wait3A_935 = arith.constant 0 : i32
    %dma_wait3A_936 = tpu.memref_slice %arg2[%add3A_836, %dma_wait3A_935] : memref<16384x1024xf32, #tpu.memory_space<hbm>> -> memref<32x1024xf32, #tpu.memory_space<hbm>>
    tpu.wait_dma2 semaphore(%dma_wait3A_930 : memref<!tpu.dma_semaphore, #tpu.memory_space<semaphore_mem>>) src(%dma_wait3A_936 : memref<32x1024xf32, #tpu.memory_space<hbm>>) dst(%dma_wait3A_934 : memref<32x1024xf32, #tpu.memory_space<vmem>>)
    %add3A_937 = arith.constant 416 : i32
    %add3A_938 = arith.addi %mul3A_2, %add3A_937 : i32
    %dma_start3A_939 = arith.constant 1 : i32
    %dma_start3A_940 = arith.constant 1 : i32
    %dma_start3A_941 = arith.constant 0 : i32
    %dma_start3A_942 = arith.constant 0 : i32
    %dma_start3A_943 = tpu.memref_slice %arg4[%dma_start3A_939, %dma_start3A_941, %dma_start3A_942] : memref<2x32x1024xf32, #tpu.memory_space<vmem>> -> memref<1x32x1024xf32, #tpu.memory_space<vmem>>
    %dma_start3A_944 = tpu.memref_squeeze %dma_start3A_943 : memref<1x32x1024xf32, #tpu.memory_space<vmem>> -> memref<32x1024xf32, #tpu.memory_space<vmem>>
    %dma_start3A_945 = arith.constant 0 : i32
    %dma_start3A_946 = tpu.memref_slice %arg3[%add3A_938, %dma_start3A_945] : memref<16384x1024xf32, #tpu.memory_space<hbm>> -> memref<32x1024xf32, #tpu.memory_space<hbm>>
    %dma_start3A_947 = tpu.memref_slice %arg6[%dma_start3A_940] : memref<2x!tpu.dma_semaphore, #tpu.memory_space<semaphore_mem>> -> memref<1x!tpu.dma_semaphore, #tpu.memory_space<semaphore_mem>>
    %dma_start3A_948 = tpu.memref_squeeze %dma_start3A_947 : memref<1x!tpu.dma_semaphore, #tpu.memory_space<semaphore_mem>> -> memref<!tpu.dma_semaphore, #tpu.memory_space<semaphore_mem>>
    %dma_start3A_949 = arith.constant 0 : i32
    %dma_start3A_950 = tpu.memref_slice %arg3[%add3A_938, %dma_start3A_949] : memref<16384x1024xf32, #tpu.memory_space<hbm>> -> memref<32x1024xf32, #tpu.memory_space<hbm>>
    %dma_start3A_951 = arith.constant 0 : i32
    %dma_start3A_952 = arith.constant 0 : i32
    %dma_start3A_953 = tpu.memref_slice %arg4[%dma_start3A_939, %dma_start3A_951, %dma_start3A_952] : memref<2x32x1024xf32, #tpu.memory_space<vmem>> -> memref<1x32x1024xf32, #tpu.memory_space<vmem>>
    %dma_start3A_954 = tpu.memref_squeeze %dma_start3A_953 : memref<1x32x1024xf32, #tpu.memory_space<vmem>> -> memref<32x1024xf32, #tpu.memory_space<vmem>>
    tpu.enqueue_dma source(%dma_start3A_954 : memref<32x1024xf32, #tpu.memory_space<vmem>>) target(%dma_start3A_950 : memref<32x1024xf32, #tpu.memory_space<hbm>>) target_semaphore(%dma_start3A_948 : memref<!tpu.dma_semaphore, #tpu.memory_space<semaphore_mem>>)
    %dma_wait3A_955 = arith.constant 1 : i32
    %dma_wait3A_956 = arith.constant 1 : i32
    %dma_wait3A_957 = arith.constant 0 : i32
    %dma_wait3A_958 = arith.constant 0 : i32
    %dma_wait3A_959 = tpu.memref_slice %arg4[%dma_wait3A_955, %dma_wait3A_957, %dma_wait3A_958] : memref<2x32x1024xf32, #tpu.memory_space<vmem>> -> memref<1x32x1024xf32, #tpu.memory_space<vmem>>
    %dma_wait3A_960 = tpu.memref_squeeze %dma_wait3A_959 : memref<1x32x1024xf32, #tpu.memory_space<vmem>> -> memref<32x1024xf32, #tpu.memory_space<vmem>>
    %dma_wait3A_961 = arith.constant 0 : i32
    %dma_wait3A_962 = tpu.memref_slice %arg3[%add3A_938, %dma_wait3A_961] : memref<16384x1024xf32, #tpu.memory_space<hbm>> -> memref<32x1024xf32, #tpu.memory_space<hbm>>
    %dma_wait3A_963 = tpu.memref_slice %arg6[%dma_wait3A_956] : memref<2x!tpu.dma_semaphore, #tpu.memory_space<semaphore_mem>> -> memref<1x!tpu.dma_semaphore, #tpu.memory_space<semaphore_mem>>
    %dma_wait3A_964 = tpu.memref_squeeze %dma_wait3A_963 : memref<1x!tpu.dma_semaphore, #tpu.memory_space<semaphore_mem>> -> memref<!tpu.dma_semaphore, #tpu.memory_space<semaphore_mem>>
    %dma_wait3A_965 = arith.constant 0 : i32
    %dma_wait3A_966 = tpu.memref_slice %arg3[%add3A_938, %dma_wait3A_965] : memref<16384x1024xf32, #tpu.memory_space<hbm>> -> memref<32x1024xf32, #tpu.memory_space<hbm>>
    %dma_wait3A_967 = arith.constant 0 : i32
    %dma_wait3A_968 = arith.constant 0 : i32
    %dma_wait3A_969 = tpu.memref_slice %arg4[%dma_wait3A_955, %dma_wait3A_967, %dma_wait3A_968] : memref<2x32x1024xf32, #tpu.memory_space<vmem>> -> memref<1x32x1024xf32, #tpu.memory_space<vmem>>
    %dma_wait3A_970 = tpu.memref_squeeze %dma_wait3A_969 : memref<1x32x1024xf32, #tpu.memory_space<vmem>> -> memref<32x1024xf32, #tpu.memory_space<vmem>>
    tpu.wait_dma2 semaphore(%dma_wait3A_964 : memref<!tpu.dma_semaphore, #tpu.memory_space<semaphore_mem>>) src(%dma_wait3A_970 : memref<32x1024xf32, #tpu.memory_space<vmem>>) dst(%dma_wait3A_966 : memref<32x1024xf32, #tpu.memory_space<hbm>>)
    %add3A_971 = arith.constant 480 : i32
    %add3A_972 = arith.addi %mul3A_2, %add3A_971 : i32
    %dma_start3A_973 = arith.constant 1 : i32
    %dma_start3A_974 = arith.constant 1 : i32
    %dma_start3A_975 = arith.constant 0 : i32
    %dma_start3A_976 = arith.constant 0 : i32
    %dma_start3A_977 = tpu.memref_slice %arg4[%dma_start3A_973, %dma_start3A_975, %dma_start3A_976] : memref<2x32x1024xf32, #tpu.memory_space<vmem>> -> memref<1x32x1024xf32, #tpu.memory_space<vmem>>
    %dma_start3A_978 = tpu.memref_squeeze %dma_start3A_977 : memref<1x32x1024xf32, #tpu.memory_space<vmem>> -> memref<32x1024xf32, #tpu.memory_space<vmem>>
    %dma_start3A_979 = arith.constant 0 : i32
    %dma_start3A_980 = tpu.memref_slice %arg2[%add3A_972, %dma_start3A_979] : memref<16384x1024xf32, #tpu.memory_space<hbm>> -> memref<32x1024xf32, #tpu.memory_space<hbm>>
    %dma_start3A_981 = tpu.memref_slice %arg5[%dma_start3A_974] : memref<2x!tpu.dma_semaphore, #tpu.memory_space<semaphore_mem>> -> memref<1x!tpu.dma_semaphore, #tpu.memory_space<semaphore_mem>>
    %dma_start3A_982 = tpu.memref_squeeze %dma_start3A_981 : memref<1x!tpu.dma_semaphore, #tpu.memory_space<semaphore_mem>> -> memref<!tpu.dma_semaphore, #tpu.memory_space<semaphore_mem>>
    %dma_start3A_983 = arith.constant 0 : i32
    %dma_start3A_984 = arith.constant 0 : i32
    %dma_start3A_985 = tpu.memref_slice %arg4[%dma_start3A_973, %dma_start3A_983, %dma_start3A_984] : memref<2x32x1024xf32, #tpu.memory_space<vmem>> -> memref<1x32x1024xf32, #tpu.memory_space<vmem>>
    %dma_start3A_986 = tpu.memref_squeeze %dma_start3A_985 : memref<1x32x1024xf32, #tpu.memory_space<vmem>> -> memref<32x1024xf32, #tpu.memory_space<vmem>>
    %dma_start3A_987 = arith.constant 0 : i32
    %dma_start3A_988 = tpu.memref_slice %arg2[%add3A_972, %dma_start3A_987] : memref<16384x1024xf32, #tpu.memory_space<hbm>> -> memref<32x1024xf32, #tpu.memory_space<hbm>>
    tpu.enqueue_dma source(%dma_start3A_988 : memref<32x1024xf32, #tpu.memory_space<hbm>>) target(%dma_start3A_986 : memref<32x1024xf32, #tpu.memory_space<vmem>>) target_semaphore(%dma_start3A_982 : memref<!tpu.dma_semaphore, #tpu.memory_space<semaphore_mem>>)
    %dma_wait3A_989 = arith.constant 0 : i32
    %dma_wait3A_990 = arith.constant 0 : i32
    %dma_wait3A_991 = arith.constant 0 : i32
    %dma_wait3A_992 = arith.constant 0 : i32
    %dma_wait3A_993 = tpu.memref_slice %arg4[%dma_wait3A_989, %dma_wait3A_991, %dma_wait3A_992] : memref<2x32x1024xf32, #tpu.memory_space<vmem>> -> memref<1x32x1024xf32, #tpu.memory_space<vmem>>
    %dma_wait3A_994 = tpu.memref_squeeze %dma_wait3A_993 : memref<1x32x1024xf32, #tpu.memory_space<vmem>> -> memref<32x1024xf32, #tpu.memory_space<vmem>>
    %dma_wait3A_995 = arith.constant 0 : i32
    %dma_wait3A_996 = tpu.memref_slice %arg2[%add3A_904, %dma_wait3A_995] : memref<16384x1024xf32, #tpu.memory_space<hbm>> -> memref<32x1024xf32, #tpu.memory_space<hbm>>
    %dma_wait3A_997 = tpu.memref_slice %arg5[%dma_wait3A_990] : memref<2x!tpu.dma_semaphore, #tpu.memory_space<semaphore_mem>> -> memref<1x!tpu.dma_semaphore, #tpu.memory_space<semaphore_mem>>
    %dma_wait3A_998 = tpu.memref_squeeze %dma_wait3A_997 : memref<1x!tpu.dma_semaphore, #tpu.memory_space<semaphore_mem>> -> memref<!tpu.dma_semaphore, #tpu.memory_space<semaphore_mem>>
    %dma_wait3A_999 = arith.constant 0 : i32
    %dma_wait3A_1000 = arith.constant 0 : i32
    %dma_wait3A_1001 = tpu.memref_slice %arg4[%dma_wait3A_989, %dma_wait3A_999, %dma_wait3A_1000] : memref<2x32x1024xf32, #tpu.memory_space<vmem>> -> memref<1x32x1024xf32, #tpu.memory_space<vmem>>
    %dma_wait3A_1002 = tpu.memref_squeeze %dma_wait3A_1001 : memref<1x32x1024xf32, #tpu.memory_space<vmem>> -> memref<32x1024xf32, #tpu.memory_space<vmem>>
    %dma_wait3A_1003 = arith.constant 0 : i32
    %dma_wait3A_1004 = tpu.memref_slice %arg2[%add3A_904, %dma_wait3A_1003] : memref<16384x1024xf32, #tpu.memory_space<hbm>> -> memref<32x1024xf32, #tpu.memory_space<hbm>>
    tpu.wait_dma2 semaphore(%dma_wait3A_998 : memref<!tpu.dma_semaphore, #tpu.memory_space<semaphore_mem>>) src(%dma_wait3A_1004 : memref<32x1024xf32, #tpu.memory_space<hbm>>) dst(%dma_wait3A_1002 : memref<32x1024xf32, #tpu.memory_space<vmem>>)
    %add3A_1005 = arith.constant 448 : i32
    %add3A_1006 = arith.addi %mul3A_2, %add3A_1005 : i32
    %dma_start3A_1007 = arith.constant 0 : i32
    %dma_start3A_1008 = arith.constant 0 : i32
    %dma_start3A_1009 = arith.constant 0 : i32
    %dma_start3A_1010 = arith.constant 0 : i32
    %dma_start3A_1011 = tpu.memref_slice %arg4[%dma_start3A_1007, %dma_start3A_1009, %dma_start3A_1010] : memref<2x32x1024xf32, #tpu.memory_space<vmem>> -> memref<1x32x1024xf32, #tpu.memory_space<vmem>>
    %dma_start3A_1012 = tpu.memref_squeeze %dma_start3A_1011 : memref<1x32x1024xf32, #tpu.memory_space<vmem>> -> memref<32x1024xf32, #tpu.memory_space<vmem>>
    %dma_start3A_1013 = arith.constant 0 : i32
    %dma_start3A_1014 = tpu.memref_slice %arg3[%add3A_1006, %dma_start3A_1013] : memref<16384x1024xf32, #tpu.memory_space<hbm>> -> memref<32x1024xf32, #tpu.memory_space<hbm>>
    %dma_start3A_1015 = tpu.memref_slice %arg6[%dma_start3A_1008] : memref<2x!tpu.dma_semaphore, #tpu.memory_space<semaphore_mem>> -> memref<1x!tpu.dma_semaphore, #tpu.memory_space<semaphore_mem>>
    %dma_start3A_1016 = tpu.memref_squeeze %dma_start3A_1015 : memref<1x!tpu.dma_semaphore, #tpu.memory_space<semaphore_mem>> -> memref<!tpu.dma_semaphore, #tpu.memory_space<semaphore_mem>>
    %dma_start3A_1017 = arith.constant 0 : i32
    %dma_start3A_1018 = tpu.memref_slice %arg3[%add3A_1006, %dma_start3A_1017] : memref<16384x1024xf32, #tpu.memory_space<hbm>> -> memref<32x1024xf32, #tpu.memory_space<hbm>>
    %dma_start3A_1019 = arith.constant 0 : i32
    %dma_start3A_1020 = arith.constant 0 : i32
    %dma_start3A_1021 = tpu.memref_slice %arg4[%dma_start3A_1007, %dma_start3A_1019, %dma_start3A_1020] : memref<2x32x1024xf32, #tpu.memory_space<vmem>> -> memref<1x32x1024xf32, #tpu.memory_space<vmem>>
    %dma_start3A_1022 = tpu.memref_squeeze %dma_start3A_1021 : memref<1x32x1024xf32, #tpu.memory_space<vmem>> -> memref<32x1024xf32, #tpu.memory_space<vmem>>
    tpu.enqueue_dma source(%dma_start3A_1022 : memref<32x1024xf32, #tpu.memory_space<vmem>>) target(%dma_start3A_1018 : memref<32x1024xf32, #tpu.memory_space<hbm>>) target_semaphore(%dma_start3A_1016 : memref<!tpu.dma_semaphore, #tpu.memory_space<semaphore_mem>>)
    %dma_wait3A_1023 = arith.constant 1 : i32
    %dma_wait3A_1024 = arith.constant 1 : i32
    %dma_wait3A_1025 = arith.constant 0 : i32
    %dma_wait3A_1026 = arith.constant 0 : i32
    %dma_wait3A_1027 = tpu.memref_slice %arg4[%dma_wait3A_1023, %dma_wait3A_1025, %dma_wait3A_1026] : memref<2x32x1024xf32, #tpu.memory_space<vmem>> -> memref<1x32x1024xf32, #tpu.memory_space<vmem>>
    %dma_wait3A_1028 = tpu.memref_squeeze %dma_wait3A_1027 : memref<1x32x1024xf32, #tpu.memory_space<vmem>> -> memref<32x1024xf32, #tpu.memory_space<vmem>>
    %dma_wait3A_1029 = arith.constant 0 : i32
    %dma_wait3A_1030 = tpu.memref_slice %arg2[%add3A_972, %dma_wait3A_1029] : memref<16384x1024xf32, #tpu.memory_space<hbm>> -> memref<32x1024xf32, #tpu.memory_space<hbm>>
    %dma_wait3A_1031 = tpu.memref_slice %arg5[%dma_wait3A_1024] : memref<2x!tpu.dma_semaphore, #tpu.memory_space<semaphore_mem>> -> memref<1x!tpu.dma_semaphore, #tpu.memory_space<semaphore_mem>>
    %dma_wait3A_1032 = tpu.memref_squeeze %dma_wait3A_1031 : memref<1x!tpu.dma_semaphore, #tpu.memory_space<semaphore_mem>> -> memref<!tpu.dma_semaphore, #tpu.memory_space<semaphore_mem>>
    %dma_wait3A_1033 = arith.constant 0 : i32
    %dma_wait3A_1034 = arith.constant 0 : i32
    %dma_wait3A_1035 = tpu.memref_slice %arg4[%dma_wait3A_1023, %dma_wait3A_1033, %dma_wait3A_1034] : memref<2x32x1024xf32, #tpu.memory_space<vmem>> -> memref<1x32x1024xf32, #tpu.memory_space<vmem>>
    %dma_wait3A_1036 = tpu.memref_squeeze %dma_wait3A_1035 : memref<1x32x1024xf32, #tpu.memory_space<vmem>> -> memref<32x1024xf32, #tpu.memory_space<vmem>>
    %dma_wait3A_1037 = arith.constant 0 : i32
    %dma_wait3A_1038 = tpu.memref_slice %arg2[%add3A_972, %dma_wait3A_1037] : memref<16384x1024xf32, #tpu.memory_space<hbm>> -> memref<32x1024xf32, #tpu.memory_space<hbm>>
    tpu.wait_dma2 semaphore(%dma_wait3A_1032 : memref<!tpu.dma_semaphore, #tpu.memory_space<semaphore_mem>>) src(%dma_wait3A_1038 : memref<32x1024xf32, #tpu.memory_space<hbm>>) dst(%dma_wait3A_1036 : memref<32x1024xf32, #tpu.memory_space<vmem>>)
    %add3A_1039 = arith.constant 480 : i32
    %add3A_1040 = arith.addi %mul3A_2, %add3A_1039 : i32
    %dma_start3A_1041 = arith.constant 1 : i32
    %dma_start3A_1042 = arith.constant 1 : i32
    %dma_start3A_1043 = arith.constant 0 : i32
    %dma_start3A_1044 = arith.constant 0 : i32
    %dma_start3A_1045 = tpu.memref_slice %arg4[%dma_start3A_1041, %dma_start3A_1043, %dma_start3A_1044] : memref<2x32x1024xf32, #tpu.memory_space<vmem>> -> memref<1x32x1024xf32, #tpu.memory_space<vmem>>
    %dma_start3A_1046 = tpu.memref_squeeze %dma_start3A_1045 : memref<1x32x1024xf32, #tpu.memory_space<vmem>> -> memref<32x1024xf32, #tpu.memory_space<vmem>>
    %dma_start3A_1047 = arith.constant 0 : i32
    %dma_start3A_1048 = tpu.memref_slice %arg3[%add3A_1040, %dma_start3A_1047] : memref<16384x1024xf32, #tpu.memory_space<hbm>> -> memref<32x1024xf32, #tpu.memory_space<hbm>>
    %dma_start3A_1049 = tpu.memref_slice %arg6[%dma_start3A_1042] : memref<2x!tpu.dma_semaphore, #tpu.memory_space<semaphore_mem>> -> memref<1x!tpu.dma_semaphore, #tpu.memory_space<semaphore_mem>>
    %dma_start3A_1050 = tpu.memref_squeeze %dma_start3A_1049 : memref<1x!tpu.dma_semaphore, #tpu.memory_space<semaphore_mem>> -> memref<!tpu.dma_semaphore, #tpu.memory_space<semaphore_mem>>
    %dma_start3A_1051 = arith.constant 0 : i32
    %dma_start3A_1052 = tpu.memref_slice %arg3[%add3A_1040, %dma_start3A_1051] : memref<16384x1024xf32, #tpu.memory_space<hbm>> -> memref<32x1024xf32, #tpu.memory_space<hbm>>
    %dma_start3A_1053 = arith.constant 0 : i32
    %dma_start3A_1054 = arith.constant 0 : i32
    %dma_start3A_1055 = tpu.memref_slice %arg4[%dma_start3A_1041, %dma_start3A_1053, %dma_start3A_1054] : memref<2x32x1024xf32, #tpu.memory_space<vmem>> -> memref<1x32x1024xf32, #tpu.memory_space<vmem>>
    %dma_start3A_1056 = tpu.memref_squeeze %dma_start3A_1055 : memref<1x32x1024xf32, #tpu.memory_space<vmem>> -> memref<32x1024xf32, #tpu.memory_space<vmem>>
    tpu.enqueue_dma source(%dma_start3A_1056 : memref<32x1024xf32, #tpu.memory_space<vmem>>) target(%dma_start3A_1052 : memref<32x1024xf32, #tpu.memory_space<hbm>>) target_semaphore(%dma_start3A_1050 : memref<!tpu.dma_semaphore, #tpu.memory_space<semaphore_mem>>)
    %dma_wait3A_1057 = arith.constant 0 : i32
    %dma_wait3A_1058 = arith.constant 0 : i32
    %dma_wait3A_1059 = arith.constant 0 : i32
    %dma_wait3A_1060 = arith.constant 0 : i32
    %dma_wait3A_1061 = tpu.memref_slice %arg4[%dma_wait3A_1057, %dma_wait3A_1059, %dma_wait3A_1060] : memref<2x32x1024xf32, #tpu.memory_space<vmem>> -> memref<1x32x1024xf32, #tpu.memory_space<vmem>>
    %dma_wait3A_1062 = tpu.memref_squeeze %dma_wait3A_1061 : memref<1x32x1024xf32, #tpu.memory_space<vmem>> -> memref<32x1024xf32, #tpu.memory_space<vmem>>
    %dma_wait3A_1063 = arith.constant 0 : i32
    %dma_wait3A_1064 = tpu.memref_slice %arg3[%add3A_1006, %dma_wait3A_1063] : memref<16384x1024xf32, #tpu.memory_space<hbm>> -> memref<32x1024xf32, #tpu.memory_space<hbm>>
    %dma_wait3A_1065 = tpu.memref_slice %arg6[%dma_wait3A_1058] : memref<2x!tpu.dma_semaphore, #tpu.memory_space<semaphore_mem>> -> memref<1x!tpu.dma_semaphore, #tpu.memory_space<semaphore_mem>>
    %dma_wait3A_1066 = tpu.memref_squeeze %dma_wait3A_1065 : memref<1x!tpu.dma_semaphore, #tpu.memory_space<semaphore_mem>> -> memref<!tpu.dma_semaphore, #tpu.memory_space<semaphore_mem>>
    %dma_wait3A_1067 = arith.constant 0 : i32
    %dma_wait3A_1068 = tpu.memref_slice %arg3[%add3A_1006, %dma_wait3A_1067] : memref<16384x1024xf32, #tpu.memory_space<hbm>> -> memref<32x1024xf32, #tpu.memory_space<hbm>>
    %dma_wait3A_1069 = arith.constant 0 : i32
    %dma_wait3A_1070 = arith.constant 0 : i32
    %dma_wait3A_1071 = tpu.memref_slice %arg4[%dma_wait3A_1057, %dma_wait3A_1069, %dma_wait3A_1070] : memref<2x32x1024xf32, #tpu.memory_space<vmem>> -> memref<1x32x1024xf32, #tpu.memory_space<vmem>>
    %dma_wait3A_1072 = tpu.memref_squeeze %dma_wait3A_1071 : memref<1x32x1024xf32, #tpu.memory_space<vmem>> -> memref<32x1024xf32, #tpu.memory_space<vmem>>
    tpu.wait_dma2 semaphore(%dma_wait3A_1066 : memref<!tpu.dma_semaphore, #tpu.memory_space<semaphore_mem>>) src(%dma_wait3A_1072 : memref<32x1024xf32, #tpu.memory_space<vmem>>) dst(%dma_wait3A_1068 : memref<32x1024xf32, #tpu.memory_space<hbm>>)
    %dma_wait3A_1073 = arith.constant 1 : i32
    %dma_wait3A_1074 = arith.constant 1 : i32
    %dma_wait3A_1075 = arith.constant 0 : i32
    %dma_wait3A_1076 = arith.constant 0 : i32
    %dma_wait3A_1077 = tpu.memref_slice %arg4[%dma_wait3A_1073, %dma_wait3A_1075, %dma_wait3A_1076] : memref<2x32x1024xf32, #tpu.memory_space<vmem>> -> memref<1x32x1024xf32, #tpu.memory_space<vmem>>
    %dma_wait3A_1078 = tpu.memref_squeeze %dma_wait3A_1077 : memref<1x32x1024xf32, #tpu.memory_space<vmem>> -> memref<32x1024xf32, #tpu.memory_space<vmem>>
    %dma_wait3A_1079 = arith.constant 0 : i32
    %dma_wait3A_1080 = tpu.memref_slice %arg3[%add3A_1040, %dma_wait3A_1079] : memref<16384x1024xf32, #tpu.memory_space<hbm>> -> memref<32x1024xf32, #tpu.memory_space<hbm>>
    %dma_wait3A_1081 = tpu.memref_slice %arg6[%dma_wait3A_1074] : memref<2x!tpu.dma_semaphore, #tpu.memory_space<semaphore_mem>> -> memref<1x!tpu.dma_semaphore, #tpu.memory_space<semaphore_mem>>
    %dma_wait3A_1082 = tpu.memref_squeeze %dma_wait3A_1081 : memref<1x!tpu.dma_semaphore, #tpu.memory_space<semaphore_mem>> -> memref<!tpu.dma_semaphore, #tpu.memory_space<semaphore_mem>>
    %dma_wait3A_1083 = arith.constant 0 : i32
    %dma_wait3A_1084 = tpu.memref_slice %arg3[%add3A_1040, %dma_wait3A_1083] : memref<16384x1024xf32, #tpu.memory_space<hbm>> -> memref<32x1024xf32, #tpu.memory_space<hbm>>
    %dma_wait3A_1085 = arith.constant 0 : i32
    %dma_wait3A_1086 = arith.constant 0 : i32
    %dma_wait3A_1087 = tpu.memref_slice %arg4[%dma_wait3A_1073, %dma_wait3A_1085, %dma_wait3A_1086] : memref<2x32x1024xf32, #tpu.memory_space<vmem>> -> memref<1x32x1024xf32, #tpu.memory_space<vmem>>
    %dma_wait3A_1088 = tpu.memref_squeeze %dma_wait3A_1087 : memref<1x32x1024xf32, #tpu.memory_space<vmem>> -> memref<32x1024xf32, #tpu.memory_space<vmem>>
    tpu.wait_dma2 semaphore(%dma_wait3A_1082 : memref<!tpu.dma_semaphore, #tpu.memory_space<semaphore_mem>>) src(%dma_wait3A_1088 : memref<32x1024xf32, #tpu.memory_space<vmem>>) dst(%dma_wait3A_1084 : memref<32x1024xf32, #tpu.memory_space<hbm>>)
    return
  }
}

</mosaic_0001>

<sc_bundles>
// kernel: kernel.3.cloned.1.call-start
scs
__scs_entry_jumppad:
0x0: {  	(pc) =	sbr.rel $0x88, $3  }
0x1: {  	(tag) =	ssettag $0x0;
	lr =	simm.s32 $0x1  }
0x2: {  	[smem:$0x3FA0] =	sst lr;
	_ =	strace $0xD0000000  }
0x3: {  	_ = 	snop  }
0x4: {  	_ = 	snop  }
0x5: {  	_ = 	snop  }
0x6: {  	_ = 	snop  }
0x7: {  	_ = 	snop  }
__scs_overlays_trampoline_lowered:
0x8: {  	[smem:$0x3FAF] =	sst s0  }
0x9: {  	[smem:$0x3FB0] =	sst s1  }
0xa: {  	[smem:$0x3FB1] =	sst s2  }
0xb: {  	[smem:$0x3FB2] =	sst s3  }
0xc: {  	[smem:$0x3FB3] =	sst s4  }
0xd: {  	[smem:$0x3FB4] =	sst s5  }
0xe: {  	[smem:$0x3FB5] =	sst s6  }
0xf: {  	[smem:$0x3FB6] =	sst s7  }
0x10: {  	[smem:$0x3FB7] =	sst s8  }
0x11: {  	[smem:$0x3FB8] =	sst s9;
	s0 =	simm.s32 @!p0 $0x0  }
0x12: {  	s1 =	sld [smem:$0x3F9E];
	s0 =	simm.s32 @p0 $0x1  }
0x13: {  	[smem:$0x3FB9] =	sst s0;
	s0 =	simm.s32 @!p1 $0x0  }
0x14: {  	s2 =	sld [smem:$0x3F9D];
	s0 =	simm.s32 @p1 $0x1  }
0x15: {  	[smem:$0x3FBA] =	sst s0;
	s0 =	simm.s32 @!p2 $0x0  }
0x16: {  	s3 =	sld [smem:$0x3FDB];
	s0 =	simm.s32 @p2 $0x1  }
0x17: {  	s4 =	simm.s32 $0x1BF5;
	[smem:$0x3FBC] =	sst s0  }
0x18: {  	s0 =	sld [smem:$0x3F9F];
	_ =	swait.ge [sflag:s4], $0x0  }
0x19: {  	s7 =	sld [smem:$0x3FA0]  }
0x1a: {  	s8 =	sadd.s32 $0xFFFFE003, lr  }
0x1b: {  	s9 =	sadd.s32 $0xFFFFFEF7, lr;
	s5 =	simm.s32 $0xFFFFFFFF;
	p2 =	slt.u32 s8, $0xFFFFF086  }
0x1c: {  	p1 =	slt.u32 s9, $0xF7A;
	s5 =	simm.s32 @!p2 $0x0  }
0x1d: {  	s5 =	simm.s32 @p1 $0x1;
	p0 =	seq.s32 s7, s2  }
0x1e: {  	s7 =	smul.u32 @!p0 $0xF7A, s2;
	p2 =	seq.s32 @!p0 s5, $0x0  }
0x1f: {  	s9 =	smul.u32 $0xF7A, s1;
	s8 =	simm.s32 @!p0 $0x1BF5;
	p2 =	por !p2, p0  }
0x20: {  	[sflag:s8] =	ssyncset.s32 @!p0 $0xFFFFF086;
	s6 =	sadd.s32 @!p0 s3, s7;
	s7 =	simm.s32 @!p0 $0x108  }
0x21: {  	s3 =	sadd.s32 s3, s9;
	s6 =	sadd.s32 @!p0 $0x88, s6;
	s7 =	simm.s32 @p2 $0x1082  }
0x22: {  	[simem:s7], [sflag:s8] =	dma.local @!p0 [hbm:s6], $0xF7A  }
0x23: {  	s9 =	sor.u32 $0xD0000000, s2;
	s6 =	simm.s32 $0x108;
	_ =	swait.ge @!p0 [sflag:s8], $0x0  }
0x24: {  	s3 =	sadd.s32 $0x88, s3;
	s6 =	simm.s32 @!p1 $0x1082;
	[sflag:s4] =	ssyncset.s32 $0xFFFFF086  }
0x25: {  	[simem:s6], [sflag:s4] =	dma.local [hbm:s3], $0xF7A  }
0x26: {  	[smem:$0x3FA0] =	sst s1;
	(tag) =	ssettag s2;
	_ =	strace s9  }
0x27: {  	s1 =	sld [smem:$0x3FB0]  }
0x28: {  	s2 =	sld [smem:$0x3FB1]  }
0x29: {  	s4 =	sld [smem:$0x3FB3]  }
0x2a: {  	p0 =	seq.s32 s5, $0x0;
	s5 =	sld [smem:$0x3FB4]  }
0x2b: {  	s6 =	sld [smem:$0x3FB5]  }
0x2c: {  	s7 =	sld [smem:$0x3FB6]  }
0x2d: {  	s3 =	simm.s32 $0x108;
	s8 =	sld [smem:$0x3FB7]  }
0x2e: {  	s3 =	simm.s32 @!p0 $0x1082;
	s9 =	sld [smem:$0x3FB8]  }
0x2f: {  	lr =	sadd.s32 s0, s3;
	s0 =	sld [smem:$0x3FAF]  }
0x30: {  	s3 =	sld [smem:$0x3FB2]  }
0x31: {  	[smem:$0x3FBB] =	sst s10  }
0x32: {  	s10 =	sld [smem:$0x3FB9];
	_ =	sdelay $0x3  }
0x33: {  	p0 =	seq.s32 s10, $0x1;
	s10 =	sld [smem:$0x3FBB];
	_ =	sdelay $0x3  }
0x34: {  	[smem:$0x3FBB] =	sst s10  }
0x35: {  	s10 =	sld [smem:$0x3FBA];
	_ =	sdelay $0x3  }
0x36: {  	p1 =	seq.s32 s10, $0x1;
	s10 =	sld [smem:$0x3FBB];
	_ =	sdelay $0x3  }
0x37: {  	[smem:$0x3FBB] =	sst s10  }
0x38: {  	s10 =	sld [smem:$0x3FBC]  }
0x39: {  	_ = 	snop;
	(pc) =	sbr.ind lr, $3  }
0x3a: {  	_ = 	snop  }
0x3b: {  	_ = 	snop  }
0x3c: {  	p2 =	seq.s32 s10, $0x1;
	s10 =	sld [smem:$0x3FBB]  }
0x3d: {  	_ =	shalt  }
0x3e: {  	_ =	shalt  }
0x3f: {  	_ =	shalt  }
0x40: {  	_ =	shalt  }
0x41: {  	_ =	shalt  }
0x42: {  	_ =	shalt  }
0x43: {  	_ =	shalt  }
0x44: {  	_ =	shalt  }
0x45: {  	_ =	shalt  }
0x46: {  	_ =	shalt  }
0x47: {  	_ =	shalt  }
0x48: {  	_ =	shalt  }
0x49: {  	_ =	shalt  }
0x4a: {  	_ =	shalt  }
0x4b: {  	_ =	shalt  }
0x4c: {  	_ =	shalt  }
0x4d: {  	_ =	shalt  }
0x4e: {  	_ =	shalt  }
0x4f: {  	_ =	shalt  }
0x50: {  	_ =	shalt  }
0x51: {  	_ =	shalt  }
0x52: {  	_ =	shalt  }
0x53: {  	_ =	shalt  }
0x54: {  	_ =	shalt  }
0x55: {  	_ =	shalt  }
0x56: {  	_ =	shalt  }
0x57: {  	_ =	shalt  }
0x58: {  	_ =	shalt  }
0x59: {  	_ =	shalt  }
0x5a: {  	_ =	shalt  }
0x5b: {  	_ =	shalt  }
0x5c: {  	_ =	shalt  }
0x5d: {  	_ =	shalt  }
0x5e: {  	_ =	shalt  }
0x5f: {  	_ =	shalt  }
0x60: {  	_ =	shalt  }
0x61: {  	_ =	shalt  }
0x62: {  	_ =	shalt  }
0x63: {  	_ =	shalt  }
0x64: {  	_ =	shalt  }
0x65: {  	_ =	shalt  }
0x66: {  	_ =	shalt  }
0x67: {  	_ =	shalt  }
0x68: {  	_ =	shalt  }
0x69: {  	_ =	shalt  }
0x6a: {  	_ =	shalt  }
0x6b: {  	_ =	shalt  }
0x6c: {  	_ =	shalt  }
0x6d: {  	_ =	shalt  }
0x6e: {  	_ =	shalt  }
0x6f: {  	_ =	shalt  }
0x70: {  	_ =	shalt  }
0x71: {  	_ =	shalt  }
0x72: {  	_ =	shalt  }
0x73: {  	_ =	shalt  }
0x74: {  	_ =	shalt  }
0x75: {  	_ =	shalt  }
0x76: {  	_ =	shalt  }
0x77: {  	_ =	shalt  }
0x78: {  	_ =	shalt  }
0x79: {  	_ =	shalt  }
0x7a: {  	_ =	shalt  }
0x7b: {  	_ =	shalt  }
0x7c: {  	_ =	shalt  }
0x7d: {  	_ =	shalt  }
0x7e: {  	_ =	shalt  }
0x7f: {  	_ =	shalt  }
0x80: {  	_ =	shalt  }
0x81: {  	_ =	shalt  }
0x82: {  	_ =	shalt  }
0x83: {  	_ =	shalt  }
0x84: {  	_ =	shalt  }
0x85: {  	_ =	shalt  }
0x86: {  	_ =	shalt  }
0x87: {  	_ =	shalt  }
.Lfunc_end0:
.L_simem_size_0:
called_computation_lowered:
.L_overlay_start_0:
0x88: {  	s2 =	sld [smem:$0x3FD9]  }
0x89: {  	s3 =	sld [smem:$0x3FFE];
	_ =	sdelay $0x1  }
0x8a: {  	s1 =	srdreg.scid  }
0x8b: {  	s0 =	sand.u32 $0x1, s1  }
0x8c: {  	s18 =	sshll.u32 s0, $0xA;
	s2 =	sadd.s32 s3, s2  }
0x8d: {  	s2 =	sadd.s32 s2, s18  }
0x8e: {  	[smem:$0x3FC7] =	sst s2  }
0x8f: {  	_ = 	snop  }
0x90: {  	s2 =	sld [smem:$0x3FC9]  }
0x91: {  	s19 =	sld [smem:$0x3FD0];
	(tm) =	ssettm $0x1  }
0x92: {  	s4 =	sld [smem:$0x3FFB];
	_ =	sdelay $0x3  }
0x93: {  	_ =	strace s4  }
0x94: {  	s4 =	sld [smem:$0x3FFC];
	_ =	sdelay $0x3  }
0x95: {  	_ =	strace s4  }
0x96: {  	s4 =	sld [smem:$0x3FFD];
	_ =	sdelay $0x3  }
0x97: {  	_ =	strace s4  }
0x98: {  	_ =	strace $0x8FFFFFFF  }
0x99: {  	s20 =	sld [smem:$0x3FDB];
	_ =	sdelay $0x1  }
0x9a: {  	s5 =	simm.s32 $_scs_section_size  }
0x9b: {  	s6 =	simm.s32 $_size__tile_overlayer_lowered;
	s7 =	simm.s32 $_tile_overlayer_lowered  }
0x9c: {  	s23 =	simm.s32 $0x1BFF;
	s22 =	sshll.u32 s7, $0x1;
	s4 =	sadd.s32 s5, s20  }
0x9d: {  	s8 =	simm.s32 $0x0;
	s21 =	sshll.u32 s6, $0x1;
	s6 =	sadd.s32 s22, s4  }
0x9e: {  	[timem:s8], [sflag:s23] =	dma.local [hbm:s6], s21  }
0x9f: {  	_ =	swait.ge [sflag:s23], s21  }
0xa0: {  	s5 =	ssub.s32 $0x0, s21;
	[sflag:s23] =	ssyncset.done $0x0  }
0xa1: {  	[sflag:s23] =	ssyncadd.s32 s5;
	_ =	sdelay $0x1  }
0xa2: {  	s24 =	simm.s32 $0x1B8B  }
0xa3: {  	_ =	swait.ge [sflag:s24], $0x1  }
0xa4: {  	[sflag:s24] =	ssyncset.done $0x0  }
0xa5: {  	s25 =	simm.s32 $0x1B8E;
	[sflag:s24] =	ssyncadd.s32 $0xFFFFFFFF  }
0xa6: {  	s26 =	simm.s32 $execute0_lowered;
	[smem:$0x3FD2] =	sst s25  }
0xa7: {  	s5 =	sshll.u32 s26, $0x1;
	_ =	strace $0x80000046;
	[dreg:$0x1] =	wrdreg $0xFFFFFFFF  }
0xa8: {  	s28 =	simm.s32 $_size_execute0_lowered;
	s4 =	sadd.s32 s4, s5;
	[dreg:$0x0] =	wrdreg $0x0  }
0xa9: {  	s5 =	sshll.u32 s28, $0x1;
	[dreg:$0x2] =	wrdreg s4  }
0xaa: {  	[dreg:$0x3] =	wrdreg s5  }
0xab: {  	[dreg:$0x4] =	wrdreg $0xC0  }
0xac: {  	_ =	task [dreg:s8], $0x5FFFF  }
0xad: {  	[dreg:$0x1] =	wrdreg $0xFFFFFFFF  }
0xae: {  	[dreg:$0x0] =	wrdreg $0x60  }
0xaf: {  	[dreg:$0x2] =	wrdreg s2  }
0xb0: {  	[dreg:$0x3] =	wrdreg s19  }
0xb1: {  	[dreg:$0x4] =	wrdreg $0x9  }
0xb2: {  	_ =	task.clear_ibuf [dreg:s8], $0x5FFFF;
	_ =	strace $0x90000046  }
0xb3: {  	s29 =	simm.s32 $0x9;
	_ =	strace $0x80000048  }
0xb4: {  	_ =	swait.ge [sflag:s29], $0x1  }
0xb5: {  	[sflag:s29] =	ssyncadd.s32 $0xFFFFFFFF  }
0xb6: {  	_ =	strace $0x90000048  }
0xb7: {  	_ =	sfence  }
0xb8: {  	s30 =	sld [smem:$0x0];
	_ =	sdelay $0x2  }
0xb9: {  	s31 =	sshll.u32 s1, $0xD;
	s1 =	sshrl.u32 s1, $0x2  }
0xba: {  	s3 =	sand.u32 $0x4000, s31;
	s1 =	sadd.s32 s1, s30  }
0xbb: {  	s0 =	sor.u32 s3, s0;
	s1 =	sshll.u32 s1, $0x11  }
0xbc: {  	s0 =	sor.u32 s1, s0  }
0xbd: {  	s0 =	sadd.s32 $0x8F2B, s0  }
0xbe: {  	[sflag:s0] =	ssyncadd.remote.s32 $0x1  }
0xbf: {  	_ =	sfence.sel $0xFFFF  }
0xc0: {  	[dreg:$0x0] =	wrdreg $0xFFFFFFFF;
	(pc) =	sbr.abs _section_cstart, $3  }
0xc1: {  	[dreg:$0x1] =	wrdreg $0xFFFFFFFF  }
0xc2: {  	_ =	task.clear_ibuf [dreg:s8], $0x2FFFF;
	_ =	strace $0x9FFFFFFF  }
0xc3: {  	(tm) =	ssettm $0x7FFFFFFF  }
tec
execute0_lowered:
.L_overlay_start_1:
0x0: {  	(tag) =	ssettag $0x1  }
0x1: {  	s29 =	rddreg [dreg:$0x0];
	s0 =	srdreg.scid  }
0x2: {  	s3 =	stileid.u32;
	s2 =	simm.s32 $0x0;
	s0 =	sand.u32 $0x1, s0  }
0x3: {  	s3 =	sshll.u32 s3, $0x11;
	[smem:$0x7FF] =	sst s2;
	s4 =	sshll.u32 s0, $0x10  }
0x4: {  	[dreg:$0xd] =	wrdreg s0;
	s30 =	sor.u32 s4, s3  }
0x5: {  	s1 =	rddreg [dreg:$0x1];
	_ =	strace $0x80000047;
	s3 =	sadd.s32 s29, s30  }
0x6: {  	s4 =	sor.u32 $0x1000, s30;
	s11 =	sadd.s32 s1, s30;
	[dreg:$0x3] =	wrdreg s3  }
0x7: {  	s5 =	sor.u32 $0x2000, s30;
	s10 =	sadd.s32 s29, s4;
	[dreg:$0x5] =	wrdreg s11  }
0x8: {  	s12 =	sadd.s32 s29, s5;
	[dreg:$0x4] =	wrdreg s10  }
0x9: {  	s14 =	sor.u32 $0x3000, s30;
	s13 =	sadd.s32 s1, s4;
	[dreg:$0x6] =	wrdreg s12  }
0xa: {  	s15 =	sadd.s32 s29, s14;
	[dreg:$0x7] =	wrdreg s13  }
0xb: {  	s16 =	sadd.s32 s1, s5;
	[dreg:$0x8] =	wrdreg s15  }
0xc: {  	s17 =	sor.u32 $0x4000, s30;
	[dreg:$0x9] =	wrdreg s16  }
0xd: {  	s18 =	sadd.s32 s29, s17;
	s19 =	rddreg [dreg:$0x3]  }
0xe: {  	s20 =	sadd.s32 s1, s14;
	[dreg:$0xa] =	wrdreg s18  }
0xf: {  	[dreg:$0xb] =	wrdreg s20  }
0x10: {  	[tilespmem:s2], [sflag:$0x1] =	stream.linear.gather [hbm4b:s19+s2], $0x8000, $0x38;
	[tilespmem:$0x10000] =	vst v63  }
0x11: {  	s3 =	simm.s32 $0x8000;
	s4 =	simm.s32 $0x1;
	s6 =	rddreg [dreg:$0x4]  }
0x12: {  	[tilespmem:s3], [sflag:$0x2] =	stream.linear.gather [hbm4b:s6+s2], $0x8000, $0x38;
	[tilespmem:$0x10000] =	vst v63  }
0x13: {  	_ =	swait.ge [sflag:s4], $0x8000  }
0x14: {  	[sflag:s4] =	ssyncset.done $0x0  }
0x15: {  	s5 =	simm.s32 $0x3;
	s21 =	rddreg [dreg:$0x5];
	[sflag:s4] =	ssyncadd.s32 $0xFFFF8000  }
0x16: {  	[hbm4b:s21+s2] =	stream.linear.scatter [tilespmem:s2], [sflag:$0x3], $0x8000, $0x38;
	[tilespmem:$0x10000] =	vst v63  }
0x17: {  	_ =	swait.ge [sflag:s5], $0x8000  }
0x18: {  	[sflag:s5] =	ssyncset.done $0x0  }
0x19: {  	s6 =	simm.s32 $0x2;
	s7 =	rddreg [dreg:$0x6];
	[sflag:s5] =	ssyncadd.s32 $0xFFFF8000  }
0x1a: {  	[tilespmem:s2], [sflag:$0x1] =	stream.linear.gather [hbm4b:s7+s2], $0x8000, $0x38;
	[tilespmem:$0x10000] =	vst v63  }
0x1b: {  	_ =	swait.ge [sflag:s6], $0x8000  }
0x1c: {  	[sflag:s6] =	ssyncset.done $0x0  }
0x1d: {  	s7 =	simm.s32 $0x4;
	s8 =	rddreg [dreg:$0x7];
	[sflag:s6] =	ssyncadd.s32 $0xFFFF8000  }
0x1e: {  	[hbm4b:s8+s2] =	stream.linear.scatter [tilespmem:s3], [sflag:$0x4], $0x8000, $0x38;
	[tilespmem:$0x10000] =	vst v63  }
0x1f: {  	_ =	swait.ge [sflag:s7], $0x8000  }
0x20: {  	[sflag:s7] =	ssyncset.done $0x0  }
0x21: {  	s22 =	rddreg [dreg:$0x8];
	[sflag:s7] =	ssyncadd.s32 $0xFFFF8000  }
0x22: {  	[tilespmem:s3], [sflag:$0x2] =	stream.linear.gather [hbm4b:s22+s2], $0x8000, $0x38;
	[tilespmem:$0x10000] =	vst v63  }
0x23: {  	_ =	swait.ge [sflag:s4], $0x8000  }
0x24: {  	[sflag:s4] =	ssyncset.done $0x0  }
0x25: {  	s23 =	rddreg [dreg:$0x9];
	[sflag:s4] =	ssyncadd.s32 $0xFFFF8000  }
0x26: {  	[hbm4b:s23+s2] =	stream.linear.scatter [tilespmem:s2], [sflag:$0x3], $0x8000, $0x38;
	[tilespmem:$0x10000] =	vst v63  }
0x27: {  	_ =	swait.ge [sflag:s5], $0x8000  }
0x28: {  	[sflag:s5] =	ssyncset.done $0x0  }
0x29: {  	s24 =	rddreg [dreg:$0xa];
	[sflag:s5] =	ssyncadd.s32 $0xFFFF8000  }
0x2a: {  	[tilespmem:s2], [sflag:$0x1] =	stream.linear.gather [hbm4b:s24+s2], $0x8000, $0x38;
	[tilespmem:$0x10000] =	vst v63  }
0x2b: {  	_ =	swait.ge [sflag:s6], $0x8000  }
0x2c: {  	[sflag:s6] =	ssyncset.done $0x0  }
0x2d: {  	s25 =	rddreg [dreg:$0xb];
	[sflag:s6] =	ssyncadd.s32 $0xFFFF8000  }
0x2e: {  	[hbm4b:s25+s2] =	stream.linear.scatter [tilespmem:s3], [sflag:$0x4], $0x8000, $0x38;
	[tilespmem:$0x10000] =	vst v63  }
0x2f: {  	s11 =	sor.u32 $0x5000, s30;
	_ =	swait.ge [sflag:s7], $0x8000  }
0x30: {  	s26 =	sadd.s32 s29, s11;
	[sflag:s7] =	ssyncset.done $0x0  }
0x31: {  	[dreg:$0xc] =	wrdreg s26;
	[sflag:s7] =	ssyncadd.s32 $0xFFFF8000  }
0x32: {  	[tilespmem:s3], [sflag:$0x2] =	stream.linear.gather [hbm4b:s26+s2], $0x8000, $0x38;
	[tilespmem:$0x10000] =	vst v63  }
0x33: {  	_ =	swait.ge [sflag:s4], $0x8000  }
0x34: {  	[sflag:s4] =	ssyncset.done $0x0  }
0x35: {  	s0 =	sadd.s32 s1, s17;
	[sflag:s4] =	ssyncadd.s32 $0xFFFF8000  }
0x36: {  	[hbm4b:s0+s2] =	stream.linear.scatter [tilespmem:s2], [sflag:$0x3], $0x8000, $0x38;
	[tilespmem:$0x10000] =	vst v63  }
0x37: {  	_ =	swait.ge [sflag:s5], $0x8000  }
0x38: {  	s13 =	sor.u32 $0x6000, s30;
	[sflag:s5] =	ssyncset.done $0x0  }
0x39: {  	s10 =	sadd.s32 s29, s13;
	[sflag:s5] =	ssyncadd.s32 $0xFFFF8000  }
0x3a: {  	[tilespmem:s2], [sflag:$0x1] =	stream.linear.gather [hbm4b:s10+s2], $0x8000, $0x38;
	[tilespmem:$0x10000] =	vst v63  }
0x3b: {  	_ =	swait.ge [sflag:s6], $0x8000  }
0x3c: {  	[sflag:s6] =	ssyncset.done $0x0  }
0x3d: {  	s11 =	sadd.s32 s1, s11;
	[sflag:s6] =	ssyncadd.s32 $0xFFFF8000  }
0x3e: {  	[hbm4b:s11+s2] =	stream.linear.scatter [tilespmem:s3], [sflag:$0x4], $0x8000, $0x38;
	[tilespmem:$0x10000] =	vst v63  }
0x3f: {  	_ =	swait.ge [sflag:s7], $0x8000  }
0x40: {  	s15 =	sor.u32 $0x7000, s30;
	[sflag:s7] =	ssyncset.done $0x0  }
0x41: {  	s12 =	sadd.s32 s29, s15;
	[sflag:s7] =	ssyncadd.s32 $0xFFFF8000  }
0x42: {  	[tilespmem:s3], [sflag:$0x2] =	stream.linear.gather [hbm4b:s12+s2], $0x8000, $0x38;
	[tilespmem:$0x10000] =	vst v63  }
0x43: {  	_ =	swait.ge [sflag:s4], $0x8000  }
0x44: {  	[sflag:s4] =	ssyncset.done $0x0  }
0x45: {  	s13 =	sadd.s32 s1, s13;
	[sflag:s4] =	ssyncadd.s32 $0xFFFF8000  }
0x46: {  	[hbm4b:s13+s2] =	stream.linear.scatter [tilespmem:s2], [sflag:$0x3], $0x8000, $0x38;
	[tilespmem:$0x10000] =	vst v63  }
0x47: {  	_ =	swait.ge [sflag:s5], $0x8000  }
0x48: {  	s17 =	sor.u32 $0x8000, s30;
	[sflag:s5] =	ssyncset.done $0x0  }
0x49: {  	s14 =	sadd.s32 s29, s17;
	[sflag:s5] =	ssyncadd.s32 $0xFFFF8000  }
0x4a: {  	[tilespmem:s2], [sflag:$0x1] =	stream.linear.gather [hbm4b:s14+s2], $0x8000, $0x38;
	[tilespmem:$0x10000] =	vst v63  }
0x4b: {  	_ =	swait.ge [sflag:s6], $0x8000  }
0x4c: {  	[sflag:s6] =	ssyncset.done $0x0  }
0x4d: {  	s15 =	sadd.s32 s1, s15;
	[sflag:s6] =	ssyncadd.s32 $0xFFFF8000  }
0x4e: {  	[hbm4b:s15+s2] =	stream.linear.scatter [tilespmem:s3], [sflag:$0x4], $0x8000, $0x38;
	[tilespmem:$0x10000] =	vst v63  }
0x4f: {  	_ =	swait.ge [sflag:s7], $0x8000  }
0x50: {  	s19 =	sor.u32 $0x9000, s30;
	[sflag:s7] =	ssyncset.done $0x0  }
0x51: {  	s16 =	sadd.s32 s29, s19;
	[sflag:s7] =	ssyncadd.s32 $0xFFFF8000  }
0x52: {  	[tilespmem:s3], [sflag:$0x2] =	stream.linear.gather [hbm4b:s16+s2], $0x8000, $0x38;
	[tilespmem:$0x10000] =	vst v63  }
0x53: {  	_ =	swait.ge [sflag:s4], $0x8000  }
0x54: {  	[sflag:s4] =	ssyncset.done $0x0  }
0x55: {  	s17 =	sadd.s32 s1, s17;
	[sflag:s4] =	ssyncadd.s32 $0xFFFF8000  }
0x56: {  	[hbm4b:s17+s2] =	stream.linear.scatter [tilespmem:s2], [sflag:$0x3], $0x8000, $0x38;
	[tilespmem:$0x10000] =	vst v63  }
0x57: {  	_ =	swait.ge [sflag:s5], $0x8000  }
0x58: {  	s21 =	sor.u32 $0xA000, s30;
	[sflag:s5] =	ssyncset.done $0x0  }
0x59: {  	s18 =	sadd.s32 s29, s21;
	[sflag:s5] =	ssyncadd.s32 $0xFFFF8000  }
0x5a: {  	[tilespmem:s2], [sflag:$0x1] =	stream.linear.gather [hbm4b:s18+s2], $0x8000, $0x38;
	[tilespmem:$0x10000] =	vst v63  }
0x5b: {  	_ =	swait.ge [sflag:s6], $0x8000  }
0x5c: {  	[sflag:s6] =	ssyncset.done $0x0  }
0x5d: {  	s19 =	sadd.s32 s1, s19;
	[sflag:s6] =	ssyncadd.s32 $0xFFFF8000  }
0x5e: {  	[hbm4b:s19+s2] =	stream.linear.scatter [tilespmem:s3], [sflag:$0x4], $0x8000, $0x38;
	[tilespmem:$0x10000] =	vst v63  }
0x5f: {  	_ =	swait.ge [sflag:s7], $0x8000  }
0x60: {  	s23 =	sor.u32 $0xB000, s30;
	[sflag:s7] =	ssyncset.done $0x0  }
0x61: {  	s20 =	sadd.s32 s29, s23;
	[sflag:s7] =	ssyncadd.s32 $0xFFFF8000  }
0x62: {  	[tilespmem:s3], [sflag:$0x2] =	stream.linear.gather [hbm4b:s20+s2], $0x8000, $0x38;
	[tilespmem:$0x10000] =	vst v63  }
0x63: {  	_ =	swait.ge [sflag:s4], $0x8000  }
0x64: {  	[sflag:s4] =	ssyncset.done $0x0  }
0x65: {  	s21 =	sadd.s32 s1, s21;
	[sflag:s4] =	ssyncadd.s32 $0xFFFF8000  }
0x66: {  	[hbm4b:s21+s2] =	stream.linear.scatter [tilespmem:s2], [sflag:$0x3], $0x8000, $0x38;
	[tilespmem:$0x10000] =	vst v63  }
0x67: {  	_ =	swait.ge [sflag:s5], $0x8000  }
0x68: {  	s25 =	sor.u32 $0xC000, s30;
	[sflag:s5] =	ssyncset.done $0x0  }
0x69: {  	s22 =	sadd.s32 s29, s25;
	[sflag:s5] =	ssyncadd.s32 $0xFFFF8000  }
0x6a: {  	[tilespmem:s2], [sflag:$0x1] =	stream.linear.gather [hbm4b:s22+s2], $0x8000, $0x38;
	[tilespmem:$0x10000] =	vst v63  }
0x6b: {  	_ =	swait.ge [sflag:s6], $0x8000  }
0x6c: {  	[sflag:s6] =	ssyncset.done $0x0  }
0x6d: {  	s23 =	sadd.s32 s1, s23;
	[sflag:s6] =	ssyncadd.s32 $0xFFFF8000  }
0x6e: {  	[hbm4b:s23+s2] =	stream.linear.scatter [tilespmem:s3], [sflag:$0x4], $0x8000, $0x38;
	[tilespmem:$0x10000] =	vst v63  }
0x6f: {  	_ =	swait.ge [sflag:s7], $0x8000  }
0x70: {  	s28 =	sor.u32 $0xD000, s30;
	[sflag:s7] =	ssyncset.done $0x0  }
0x71: {  	s24 =	sadd.s32 s29, s28;
	[sflag:s7] =	ssyncadd.s32 $0xFFFF8000  }
0x72: {  	[tilespmem:s3], [sflag:$0x2] =	stream.linear.gather [hbm4b:s24+s2], $0x8000, $0x38;
	[tilespmem:$0x10000] =	vst v63  }
0x73: {  	_ =	swait.ge [sflag:s4], $0x8000  }
0x74: {  	[sflag:s4] =	ssyncset.done $0x0  }
0x75: {  	s25 =	sadd.s32 s1, s25;
	[sflag:s4] =	ssyncadd.s32 $0xFFFF8000  }
0x76: {  	[hbm4b:s25+s2] =	stream.linear.scatter [tilespmem:s2], [sflag:$0x3], $0x8000, $0x38;
	[tilespmem:$0x10000] =	vst v63  }
0x77: {  	_ =	swait.ge [sflag:s5], $0x8000  }
0x78: {  	s31 =	sor.u32 $0xE000, s30;
	[sflag:s5] =	ssyncset.done $0x0  }
0x79: {  	s26 =	sadd.s32 s29, s31;
	[sflag:s5] =	ssyncadd.s32 $0xFFFF8000  }
0x7a: {  	[tilespmem:s2], [sflag:$0x1] =	stream.linear.gather [hbm4b:s26+s2], $0x8000, $0x38;
	[tilespmem:$0x10000] =	vst v63  }
0x7b: {  	_ =	swait.ge [sflag:s6], $0x8000  }
0x7c: {  	[sflag:s6] =	ssyncset.done $0x0  }
0x7d: {  	s28 =	sadd.s32 s1, s28;
	[sflag:s6] =	ssyncadd.s32 $0xFFFF8000  }
0x7e: {  	[hbm4b:s28+s2] =	stream.linear.scatter [tilespmem:s3], [sflag:$0x4], $0x8000, $0x38;
	[tilespmem:$0x10000] =	vst v63  }
0x7f: {  	_ =	swait.ge [sflag:s7], $0x8000  }
0x80: {  	s8 =	sor.u32 $0xF000, s30;
	[sflag:s7] =	ssyncset.done $0x0  }
0x81: {  	s29 =	sadd.s32 s29, s8;
	[sflag:s7] =	ssyncadd.s32 $0xFFFF8000  }
0x82: {  	[tilespmem:s3], [sflag:$0x2] =	stream.linear.gather [hbm4b:s29+s2], $0x8000, $0x38;
	[tilespmem:$0x10000] =	vst v63  }
0x83: {  	_ =	swait.ge [sflag:s4], $0x8000  }
0x84: {  	[sflag:s4] =	ssyncset.done $0x0  }
0x85: {  	s30 =	sadd.s32 s1, s31;
	[sflag:s4] =	ssyncadd.s32 $0xFFFF8000  }
0x86: {  	[hbm4b:s30+s2] =	stream.linear.scatter [tilespmem:s2], [sflag:$0x3], $0x8000, $0x38;
	[tilespmem:$0x10000] =	vst v63  }
0x87: {  	_ =	swait.ge [sflag:s6], $0x8000  }
0x88: {  	s31 =	sadd.s32 s1, s8;
	[sflag:s6] =	ssyncset.done $0x0;
	s1 =	rddreg [dreg:$0xd]  }
0x89: {  	s9 =	smov.u32 s0;
	s0 =	ssub.s32 $0x2, s1;
	[sflag:s6] =	ssyncadd.s32 $0xFFFF8000  }
0x8a: {  	[hbm4b:s31+s2] =	stream.linear.scatter [tilespmem:s3], [sflag:$0x4], $0x8000, $0x38;
	[tilespmem:$0x10000] =	vst v63  }
0x8b: {  	s8 =	sshrl.u32 s0, $0x1  }
0x8c: {  	s0 =	ssub.s32 s0, s8  }
0x8d: {  	s0 =	smax.u32 s0, $0x1  }
0x8e: {  	p0 =	sne.s32 s0, $0x1  }
.Ltmp0:
0x8f: {  	_ =	swait.ge [sflag:s5], $0x8000;
	(pc) =	sbr.rel @!p0 .LBB2_2-.Ltmp0, $4  }
0x90: {  	[sflag:s5] =	ssyncset.done $0x0  }
0x91: {  	[sflag:s5] =	ssyncadd.s32 $0xFFFF8000  }
0x92: {  	_ =	swait.ge [sflag:s7], $0x8000  }
0x93: {  	s0 =	sadd.s32 $0xFFFFFFFF, s0;
	[sflag:s7] =	ssyncset.done $0x0  }
.LBB2_1:
0x94: {  	s1 =	rddreg [dreg:$0x3];
	[sflag:s7] =	ssyncadd.s32 $0xFFFF8000  }
0x95: {  	[tilespmem:s2], [sflag:$0x1] =	stream.linear.gather [hbm4b:s1+s2], $0x8000, $0x38;
	[tilespmem:$0x10000] =	vst v63  }
0x96: {  	s8 =	rddreg [dreg:$0x4]  }
0x97: {  	[tilespmem:s3], [sflag:$0x2] =	stream.linear.gather [hbm4b:s8+s2], $0x8000, $0x38;
	[tilespmem:$0x10000] =	vst v63  }
0x98: {  	_ =	swait.ge [sflag:s4], $0x8000  }
0x99: {  	[sflag:s4] =	ssyncset.done $0x0  }
0x9a: {  	s8 =	rddreg [dreg:$0x5];
	[sflag:s4] =	ssyncadd.s32 $0xFFFF8000  }
0x9b: {  	[hbm4b:s8+s2] =	stream.linear.scatter [tilespmem:s2], [sflag:$0x3], $0x8000, $0x38;
	[tilespmem:$0x10000] =	vst v63  }
0x9c: {  	_ =	swait.ge [sflag:s5], $0x8000  }
0x9d: {  	[sflag:s5] =	ssyncset.done $0x0  }
0x9e: {  	s8 =	rddreg [dreg:$0x6];
	[sflag:s5] =	ssyncadd.s32 $0xFFFF8000  }
0x9f: {  	[tilespmem:s2], [sflag:$0x1] =	stream.linear.gather [hbm4b:s8+s2], $0x8000, $0x38;
	[tilespmem:$0x10000] =	vst v63  }
0xa0: {  	_ =	swait.ge [sflag:s6], $0x8000  }
0xa1: {  	[sflag:s6] =	ssyncset.done $0x0  }
0xa2: {  	s8 =	rddreg [dreg:$0x7];
	[sflag:s6] =	ssyncadd.s32 $0xFFFF8000  }
0xa3: {  	[hbm4b:s8+s2] =	stream.linear.scatter [tilespmem:s3], [sflag:$0x4], $0x8000, $0x38;
	[tilespmem:$0x10000] =	vst v63  }
0xa4: {  	_ =	swait.ge [sflag:s7], $0x8000  }
0xa5: {  	[sflag:s7] =	ssyncset.done $0x0  }
0xa6: {  	s8 =	rddreg [dreg:$0x8];
	[sflag:s7] =	ssyncadd.s32 $0xFFFF8000  }
0xa7: {  	[tilespmem:s3], [sflag:$0x2] =	stream.linear.gather [hbm4b:s8+s2], $0x8000, $0x38;
	[tilespmem:$0x10000] =	vst v63  }
0xa8: {  	_ =	swait.ge [sflag:s4], $0x8000  }
0xa9: {  	[sflag:s4] =	ssyncset.done $0x0  }
0xaa: {  	s8 =	rddreg [dreg:$0x9];
	[sflag:s4] =	ssyncadd.s32 $0xFFFF8000  }
0xab: {  	[hbm4b:s8+s2] =	stream.linear.scatter [tilespmem:s2], [sflag:$0x3], $0x8000, $0x38;
	[tilespmem:$0x10000] =	vst v63  }
0xac: {  	_ =	swait.ge [sflag:s5], $0x8000  }
0xad: {  	[sflag:s5] =	ssyncset.done $0x0  }
0xae: {  	s8 =	rddreg [dreg:$0xa];
	[sflag:s5] =	ssyncadd.s32 $0xFFFF8000  }
0xaf: {  	[tilespmem:s2], [sflag:$0x1] =	stream.linear.gather [hbm4b:s8+s2], $0x8000, $0x38;
	[tilespmem:$0x10000] =	vst v63  }
0xb0: {  	_ =	swait.ge [sflag:s6], $0x8000  }
0xb1: {  	[sflag:s6] =	ssyncset.done $0x0  }
0xb2: {  	s8 =	rddreg [dreg:$0xb];
	[sflag:s6] =	ssyncadd.s32 $0xFFFF8000  }
0xb3: {  	[hbm4b:s8+s2] =	stream.linear.scatter [tilespmem:s3], [sflag:$0x4], $0x8000, $0x38;
	[tilespmem:$0x10000] =	vst v63  }
0xb4: {  	_ =	swait.ge [sflag:s7], $0x8000  }
0xb5: {  	[sflag:s7] =	ssyncset.done $0x0  }
0xb6: {  	s8 =	rddreg [dreg:$0xc];
	[sflag:s7] =	ssyncadd.s32 $0xFFFF8000  }
0xb7: {  	[tilespmem:s3], [sflag:$0x2] =	stream.linear.gather [hbm4b:s8+s2], $0x8000, $0x38;
	[tilespmem:$0x10000] =	vst v63  }
0xb8: {  	_ =	swait.ge [sflag:s4], $0x8000  }
0xb9: {  	[sflag:s4] =	ssyncset.done $0x0  }
0xba: {  	[sflag:s4] =	ssyncadd.s32 $0xFFFF8000  }
0xbb: {  	[hbm4b:s9+s2] =	stream.linear.scatter [tilespmem:s2], [sflag:$0x3], $0x8000, $0x38;
	[tilespmem:$0x10000] =	vst v63  }
0xbc: {  	_ =	swait.ge [sflag:s5], $0x8000  }
0xbd: {  	[sflag:s5] =	ssyncset.done $0x0  }
0xbe: {  	[sflag:s5] =	ssyncadd.s32 $0xFFFF8000  }
0xbf: {  	[tilespmem:s2], [sflag:$0x1] =	stream.linear.gather [hbm4b:s10+s2], $0x8000, $0x38;
	[tilespmem:$0x10000] =	vst v63  }
0xc0: {  	_ =	swait.ge [sflag:s6], $0x8000  }
0xc1: {  	[sflag:s6] =	ssyncset.done $0x0  }
0xc2: {  	[sflag:s6] =	ssyncadd.s32 $0xFFFF8000  }
0xc3: {  	[hbm4b:s11+s2] =	stream.linear.scatter [tilespmem:s3], [sflag:$0x4], $0x8000, $0x38;
	[tilespmem:$0x10000] =	vst v63  }
0xc4: {  	_ =	swait.ge [sflag:s7], $0x8000  }
0xc5: {  	[sflag:s7] =	ssyncset.done $0x0  }
0xc6: {  	[sflag:s7] =	ssyncadd.s32 $0xFFFF8000  }
0xc7: {  	[tilespmem:s3], [sflag:$0x2] =	stream.linear.gather [hbm4b:s12+s2], $0x8000, $0x38;
	[tilespmem:$0x10000] =	vst v63  }
0xc8: {  	_ =	swait.ge [sflag:s4], $0x8000  }
0xc9: {  	[sflag:s4] =	ssyncset.done $0x0  }
0xca: {  	[sflag:s4] =	ssyncadd.s32 $0xFFFF8000  }
0xcb: {  	[hbm4b:s13+s2] =	stream.linear.scatter [tilespmem:s2], [sflag:$0x3], $0x8000, $0x38;
	[tilespmem:$0x10000] =	vst v63  }
0xcc: {  	_ =	swait.ge [sflag:s5], $0x8000  }
0xcd: {  	[sflag:s5] =	ssyncset.done $0x0  }
0xce: {  	[sflag:s5] =	ssyncadd.s32 $0xFFFF8000  }
0xcf: {  	[tilespmem:s2], [sflag:$0x1] =	stream.linear.gather [hbm4b:s14+s2], $0x8000, $0x38;
	[tilespmem:$0x10000] =	vst v63  }
0xd0: {  	_ =	swait.ge [sflag:s6], $0x8000  }
0xd1: {  	[sflag:s6] =	ssyncset.done $0x0  }
0xd2: {  	[sflag:s6] =	ssyncadd.s32 $0xFFFF8000  }
0xd3: {  	[hbm4b:s15+s2] =	stream.linear.scatter [tilespmem:s3], [sflag:$0x4], $0x8000, $0x38;
	[tilespmem:$0x10000] =	vst v63  }
0xd4: {  	_ =	swait.ge [sflag:s7], $0x8000  }
0xd5: {  	[sflag:s7] =	ssyncset.done $0x0  }
0xd6: {  	[sflag:s7] =	ssyncadd.s32 $0xFFFF8000  }
0xd7: {  	[tilespmem:s3], [sflag:$0x2] =	stream.linear.gather [hbm4b:s16+s2], $0x8000, $0x38;
	[tilespmem:$0x10000] =	vst v63  }
0xd8: {  	_ =	swait.ge [sflag:s4], $0x8000  }
0xd9: {  	[sflag:s4] =	ssyncset.done $0x0  }
0xda: {  	[sflag:s4] =	ssyncadd.s32 $0xFFFF8000  }
0xdb: {  	[hbm4b:s17+s2] =	stream.linear.scatter [tilespmem:s2], [sflag:$0x3], $0x8000, $0x38;
	[tilespmem:$0x10000] =	vst v63  }
0xdc: {  	_ =	swait.ge [sflag:s5], $0x8000  }
0xdd: {  	[sflag:s5] =	ssyncset.done $0x0  }
0xde: {  	[sflag:s5] =	ssyncadd.s32 $0xFFFF8000  }
0xdf: {  	[tilespmem:s2], [sflag:$0x1] =	stream.linear.gather [hbm4b:s18+s2], $0x8000, $0x38;
	[tilespmem:$0x10000] =	vst v63  }
0xe0: {  	_ =	swait.ge [sflag:s6], $0x8000  }
0xe1: {  	[sflag:s6] =	ssyncset.done $0x0  }
0xe2: {  	[sflag:s6] =	ssyncadd.s32 $0xFFFF8000  }
0xe3: {  	[hbm4b:s19+s2] =	stream.linear.scatter [tilespmem:s3], [sflag:$0x4], $0x8000, $0x38;
	[tilespmem:$0x10000] =	vst v63  }
0xe4: {  	_ =	swait.ge [sflag:s7], $0x8000  }
0xe5: {  	[sflag:s7] =	ssyncset.done $0x0  }
0xe6: {  	[sflag:s7] =	ssyncadd.s32 $0xFFFF8000  }
0xe7: {  	[tilespmem:s3], [sflag:$0x2] =	stream.linear.gather [hbm4b:s20+s2], $0x8000, $0x38;
	[tilespmem:$0x10000] =	vst v63  }
0xe8: {  	_ =	swait.ge [sflag:s4], $0x8000  }
0xe9: {  	[sflag:s4] =	ssyncset.done $0x0  }
0xea: {  	[sflag:s4] =	ssyncadd.s32 $0xFFFF8000  }
0xeb: {  	[hbm4b:s21+s2] =	stream.linear.scatter [tilespmem:s2], [sflag:$0x3], $0x8000, $0x38;
	[tilespmem:$0x10000] =	vst v63  }
0xec: {  	_ =	swait.ge [sflag:s5], $0x8000  }
0xed: {  	[sflag:s5] =	ssyncset.done $0x0  }
0xee: {  	[sflag:s5] =	ssyncadd.s32 $0xFFFF8000  }
0xef: {  	[tilespmem:s2], [sflag:$0x1] =	stream.linear.gather [hbm4b:s22+s2], $0x8000, $0x38;
	[tilespmem:$0x10000] =	vst v63  }
0xf0: {  	_ =	swait.ge [sflag:s6], $0x8000  }
0xf1: {  	[sflag:s6] =	ssyncset.done $0x0  }
0xf2: {  	[sflag:s6] =	ssyncadd.s32 $0xFFFF8000  }
0xf3: {  	[hbm4b:s23+s2] =	stream.linear.scatter [tilespmem:s3], [sflag:$0x4], $0x8000, $0x38;
	[tilespmem:$0x10000] =	vst v63  }
0xf4: {  	_ =	swait.ge [sflag:s7], $0x8000  }
0xf5: {  	[sflag:s7] =	ssyncset.done $0x0  }
0xf6: {  	[sflag:s7] =	ssyncadd.s32 $0xFFFF8000  }
0xf7: {  	[tilespmem:s3], [sflag:$0x2] =	stream.linear.gather [hbm4b:s24+s2], $0x8000, $0x38;
	[tilespmem:$0x10000] =	vst v63  }
0xf8: {  	_ =	swait.ge [sflag:s4], $0x8000  }
0xf9: {  	[sflag:s4] =	ssyncset.done $0x0  }
0xfa: {  	[sflag:s4] =	ssyncadd.s32 $0xFFFF8000  }
0xfb: {  	[hbm4b:s25+s2] =	stream.linear.scatter [tilespmem:s2], [sflag:$0x3], $0x8000, $0x38;
	[tilespmem:$0x10000] =	vst v63  }
0xfc: {  	_ =	swait.ge [sflag:s5], $0x8000  }
0xfd: {  	[sflag:s5] =	ssyncset.done $0x0  }
0xfe: {  	[sflag:s5] =	ssyncadd.s32 $0xFFFF8000  }
0xff: {  	[tilespmem:s2], [sflag:$0x1] =	stream.linear.gather [hbm4b:s26+s2], $0x8000, $0x38;
	[tilespmem:$0x10000] =	vst v63  }
0x100: {  	_ =	swait.ge [sflag:s6], $0x8000  }
0x101: {  	[sflag:s6] =	ssyncset.done $0x0  }
0x102: {  	[sflag:s6] =	ssyncadd.s32 $0xFFFF8000  }
0x103: {  	[hbm4b:s28+s2] =	stream.linear.scatter [tilespmem:s3], [sflag:$0x4], $0x8000, $0x38;
	[tilespmem:$0x10000] =	vst v63  }
0x104: {  	_ =	swait.ge [sflag:s7], $0x8000  }
0x105: {  	[sflag:s7] =	ssyncset.done $0x0  }
0x106: {  	[sflag:s7] =	ssyncadd.s32 $0xFFFF8000  }
0x107: {  	[tilespmem:s3], [sflag:$0x2] =	stream.linear.gather [hbm4b:s29+s2], $0x8000, $0x38;
	[tilespmem:$0x10000] =	vst v63  }
0x108: {  	_ =	swait.ge [sflag:s4], $0x8000  }
0x109: {  	[sflag:s4] =	ssyncset.done $0x0  }
0x10a: {  	[sflag:s4] =	ssyncadd.s32 $0xFFFF8000  }
0x10b: {  	[hbm4b:s30+s2] =	stream.linear.scatter [tilespmem:s2], [sflag:$0x3], $0x8000, $0x38;
	[tilespmem:$0x10000] =	vst v63  }
0x10c: {  	_ =	swait.ge [sflag:s6], $0x8000  }
0x10d: {  	[sflag:s6] =	ssyncset.done $0x0  }
0x10e: {  	p0 =	sne.s32 s0, $0x1;
	[sflag:s6] =	ssyncadd.s32 $0xFFFF8000  }
0x10f: {  	[hbm4b:s31+s2] =	stream.linear.scatter [tilespmem:s3], [sflag:$0x4], $0x8000, $0x38;
	[tilespmem:$0x10000] =	vst v63  }
.Ltmp1:
0x110: {  	_ =	swait.ge [sflag:s5], $0x8000;
	(pc) =	sbr.rel @p0 .LBB2_1-.Ltmp1, $4  }
0x111: {  	[sflag:s5] =	ssyncset.done $0x0  }
0x112: {  	[sflag:s5] =	ssyncadd.s32 $0xFFFF8000  }
0x113: {  	_ =	swait.ge [sflag:s7], $0x8000  }
0x114: {  	s0 =	sadd.s32 $0xFFFFFFFF, s0;
	[sflag:s7] =	ssyncset.done $0x0  }
.LBB2_2:
0x115: {  	[sflag:s7] =	ssyncadd.s32 $0xFFFF8000  }
0x116: {  	_ =	sfence.sel $0x180000  }
0x117: {  	[bflag:$0x0] =	sbarrier.arrive $0xFFFF  }
0x118: {  	_ =	strace $0x90000047  }
0x119: {  	s0 =	stileid.u32;
	[bflag:$0x2] =	sbarrier.arrive $0xFFFF  }
0x11a: {  	p0 =	sne.s32 s0, $0x0;
	s0 =	rddreg [dreg:$0x2]  }
0x11b: {  	s0 =	sadd.s32 @!p0 $0x100000, s0  }
0x11c: {  	[sflag:s0] =	ssyncadd.tile.s32 @!p0 $0x1;
	_ =	shalt  }
.Lfunc_end2:
_tile_overlayer_lowered:
.L_overlay_start_2:
0x11d: {  	(tag) =	ssettag $0x2  }
0x11e: {  	s0 =	rddreg [dreg:$0x0];
	s2 =	stileid.u32  }
0x11f: {  	s1 =	rddreg [dreg:$0x1];
	p0 =	sne.s32 s2, $0x0  }
0x120: {  	s3 =	rddreg [dreg:$0x2];
	[bflag:$0x3] =	sbarrier.arrive $0xFFFF;
	s2 =	simm.s32 @!p0 $0x1C05  }
0x121: {  	[timem:s3], [sflag:s2] =	dma.local @!p0 [hbm:s0], s1  }
0x122: {  	s0 =	simm.s32 @!p0 $0x5  }
0x123: {  	_ =	swait.ge @!p0 [sflag:s0], s1  }
0x124: {  	s1 =	ssub.s32 @!p0 $0x0, s1;
	[sflag:s0] =	ssyncset.done @!p0 $0x0  }
0x125: {  	[sflag:s0] =	ssyncadd.s32 @!p0 s1  }
0x126: {  	[bflag:$0x3] =	sbarrier.arrive $0xFFFF  }
0x127: {  	_ =	shalt  }

</sc_bundles>
